<compile_context>
chip_gen: v7x
topology: tpu7x:2x2x1
jax: 0.10.2.dev20260603
libtpu: 0.0.44.dev20260713+nightly
codegen_flags: <defaults>
</compile_context>

<pallas_src>
import functools

import jax
import jax.numpy as jnp
from jax import lax
from jax.experimental import pallas as pl
from jax.experimental.pallas import tpu as pltpu
from jax.experimental.pallas import tpu_sc as plsc

LENGTH = 4096
BATCH = 16
D = 512

NC = 2
NS = 16
NW = NC * NS
ROWS = BATCH * LENGTH
RPW = ROWS // NW
CH = 32
NCHUNK = RPW // CH
NG = NCHUNK // 2


def _sc_shuffle(x_flat, ids):
    mesh = plsc.VectorSubcoreMesh(core_axis_name="c", subcore_axis_name="s")

    scratch = [
        pltpu.VMEM((RPW,), jnp.int32),
        pltpu.VMEM((CH, D), jnp.float32),
        pltpu.VMEM((CH, D), jnp.float32),
        pltpu.VMEM_SHARED((NS, 2, CH, D), jnp.float32),
        pltpu.SemaphoreType.DMA,
        pltpu.SemaphoreType.DMA,
        pltpu.SemaphoreType.DMA,
        pltpu.SemaphoreType.DMA,
        pltpu.SemaphoreType.DMA,
        pltpu.SemaphoreType.DMA,
    ]

    @functools.partial(
        pl.kernel,
        mesh=mesh,
        out_type=jax.ShapeDtypeStruct((ROWS, D), jnp.float32),
        scratch_types=scratch,
    )
    def k(x_hbm, ids_hbm, out_hbm, idx_all, t0, t1, stage,
          g0, g1, x0, x1, w0, w1):
        tbuf = (t0, t1)
        gsem = (g0, g1)
        xsem = (x0, x1)
        wsem = (w0, w1)
        s = lax.axis_index("s")
        wid = lax.axis_index("c") * NS + s
        base = wid * RPW
        i0 = lax.rem(base, LENGTH)
        b_off = base - i0

        pltpu.sync_copy(ids_hbm.at[pl.ds(i0, RPW)], idx_all)

        def addoff(j, carry):
            sl = pl.ds(j * 16, 16)
            idx_all[sl] = idx_all[sl] + b_off
            return carry

        lax.fori_loop(0, RPW // 16, addoff, 0)

        def gd(c, b):
            return pltpu.make_async_copy(
                x_hbm.at[idx_all.at[pl.ds(c * CH, CH)]], tbuf[b], gsem[b])

        def xd(c, b):
            return pltpu.make_async_copy(tbuf[b], stage.at[s, b], xsem[b])

        def wd(c, b):
            return pltpu.make_async_copy(
                stage.at[s, b], out_hbm.at[pl.ds(base + c * CH, CH)], wsem[b])

        def step(c, b, reuse=True, ahead=True):
            gd(c, b).wait()
            if reuse:
                wd(c - 2, b).wait()
            xd(c, b).start()
            xd(c, b).wait()
            if ahead:
                gd(c + 2, b).start()
            wd(c, b).start()

        gd(0, 0).start()
        gd(1, 1).start()

        for b in range(2):
            step(b, b, reuse=False, ahead=True)

        def body(g, carry):
            for b in range(2):
                step(g * 2 + b, b, reuse=True, ahead=True)
            return carry

        lax.fori_loop(1, NG - 1, body, 0)

        for b in range(2):
            step(NCHUNK - 2 + b, b, reuse=True, ahead=False)

        for b in range(2):
            wd(NCHUNK - 2 + b, b).wait()

    return k(x_flat, ids)


def kernel(inputs, ids_shuffle):
    x_flat = inputs.reshape(ROWS, D)
    ids = ids_shuffle.astype(jnp.int32)
    out = _sc_shuffle(x_flat, ids)
    return out.reshape(BATCH, LENGTH, D)

# --- scband reference (transcript-rebuilt; emitter-appended) ---
"""Pipeline reference for scband-fixed-shuffler-35167192220415 (READ-ONLY COPY).

The authoritative reference and input builder live on the scoring server;
editing this copy changes nothing except your own understanding.
"""

import jax, jax.numpy as jnp
import numpy as np

LENGTH = 4096
BATCH = 16
D = 512


def setup_inputs(seed: int = 0) -> dict:
    key = jax.random.key(seed)
    k_x, k_noise = jax.random.split(key)
    x = jax.random.normal(k_x, (BATCH, LENGTH, D), dtype=jnp.float32)
    # Faithful to FixedShuffler.setup(): permutation derived from argsort of uniform noise
    noise = jax.random.uniform(k_noise, shape=(LENGTH,))
    ids_shuffle = jnp.argsort(noise, axis=0)
    return {"inputs": x, "ids_shuffle": ids_shuffle}


def reference(inputs, ids_shuffle):
    # FixedShuffler.__call__: gather along sequence dimension with fixed permutation
    outputs = jnp.take(inputs, ids_shuffle, axis=1)
    return outputs

if __name__ == "__main__":
    import jax
    _d = setup_inputs()
    print(jax.jit(kernel)(*tuple(_d.values())))

</pallas_src>

<mosaic_0001>
#map = affine_map<(d0, d1) -> (0, 0)>
#map1 = affine_map<(d0, d1) -> (0)>
module attributes {stable_mosaic.version = 14 : i64} {
  func.func @k(%arg0: i32, %arg1: i32, %arg2: memref<65536x512xf32, #tpu.memory_space<hbm>>, %arg3: memref<4096xi32, #tpu.memory_space<hbm>>, %arg4: memref<65536x512xf32, #tpu.memory_space<hbm>>, %arg5: memref<2048xi32, #tpu.memory_space<vmem>>, %arg6: memref<32x512xf32, #tpu.memory_space<vmem>>, %arg7: memref<32x512xf32, #tpu.memory_space<vmem>>, %arg8: memref<16x2x32x512xf32, #tpu.memory_space<vmem_shared>>, %arg9: memref<!tpu.dma_semaphore, #tpu.memory_space<semaphore_mem>>, %arg10: memref<!tpu.dma_semaphore, #tpu.memory_space<semaphore_mem>>, %arg11: memref<!tpu.dma_semaphore, #tpu.memory_space<semaphore_mem>>, %arg12: memref<!tpu.dma_semaphore, #tpu.memory_space<semaphore_mem>>, %arg13: memref<!tpu.dma_semaphore, #tpu.memory_space<semaphore_mem>>, %arg14: memref<!tpu.dma_semaphore, #tpu.memory_space<semaphore_mem>>) attributes {dimension_semantics = [#tpu.dimension_semantics<core_parallel>, #tpu.dimension_semantics<subcore_parallel>], iteration_bounds = array<i64: 2, 16>, scalar_prefetch = 0 : i64, scratch_operands = 10 : i64, tpu.core_type = #tpu.core_type<sc_vector_subcore>, window_params = [{transform_indices = #map}, {transform_indices = #map1}, {transform_indices = #map}]} {
    %mul3A = arith.constant 16 : i32
    %mul3A_0 = arith.muli %arg0, %mul3A : i32
    %add3A = arith.addi %mul3A_0, %arg1 : i32
    %mul3A_1 = arith.constant 2048 : i32
    %mul3A_2 = arith.muli %add3A, %mul3A_1 : i32
    %rem3A = arith.constant 4096 : i32
    %rem3A_3 = arith.remsi %mul3A_2, %rem3A : i32
    %sub3A = arith.subi %mul3A_2, %rem3A_3 : i32
    "tpu.region"() ({
      %run_scoped3A = tpu.sem_alloc : memref<!tpu.dma_semaphore, #tpu.memory_space<semaphore_mem>>
      %dma_start3A_197 = tpu.memref_slice %arg3[%rem3A_3] : memref<4096xi32, #tpu.memory_space<hbm>> -> memref<2048xi32, #tpu.memory_space<hbm>>
      %dma_start3A_198 = tpu.memref_slice %arg3[%rem3A_3] : memref<4096xi32, #tpu.memory_space<hbm>> -> memref<2048xi32, #tpu.memory_space<hbm>>
      tpu.enqueue_dma source(%dma_start3A_198 : memref<2048xi32, #tpu.memory_space<hbm>>) target(%arg5 : memref<2048xi32, #tpu.memory_space<vmem>>) target_semaphore(%run_scoped3A : memref<!tpu.dma_semaphore, #tpu.memory_space<semaphore_mem>>)
      %dma_wait3A_199 = tpu.memref_slice %arg3[%rem3A_3] : memref<4096xi32, #tpu.memory_space<hbm>> -> memref<2048xi32, #tpu.memory_space<hbm>>
      %dma_wait3A_200 = tpu.memref_slice %arg3[%rem3A_3] : memref<4096xi32, #tpu.memory_space<hbm>> -> memref<2048xi32, #tpu.memory_space<hbm>>
      tpu.wait_dma2 semaphore(%run_scoped3A : memref<!tpu.dma_semaphore, #tpu.memory_space<semaphore_mem>>) src(%dma_wait3A_200 : memref<2048xi32, #tpu.memory_space<hbm>>) dst(%arg5 : memref<2048xi32, #tpu.memory_space<vmem>>)
      tpu.yield
    }) : () -> ()
    %scan3A = arith.constant 0 : i32
    %scan3A_4 = arith.constant 0 : i32
    %scan3A_5 = arith.constant 128 : i32
    %scan3A_6 = arith.addi %scan3A_4, %scan3A_5 : i32
    %scan3A_7 = arith.constant 1 : i32
    scf.for %scan3A_197 = %scan3A_4 to %scan3A_6 step %scan3A_7  : i32 {
      %mul3A_198 = arith.constant 16 : i32
      %mul3A_199 = arith.muli %scan3A_197, %mul3A_198 : i32
      %get3A = arith.index_cast %mul3A_199 : i32 to index
      %get3A_200 = tpu.vector_load %arg5[%get3A] {strides = array<i32>} : memref<2048xi32, #tpu.memory_space<vmem>>, vector<16xi32>,
      %get3A_201 = vector.shape_cast %get3A_200 : vector<16xi32> to vector<16xi32>
      %add3A_202 = vector.broadcast %sub3A : i32 to vector<16xi32>
      %add3A_203 = arith.addi %get3A_201, %add3A_202 : vector<16xi32>
      %swap3A = arith.index_cast %mul3A_199 : i32 to index
      %swap3A_204 = tpu.vector_load %arg5[%swap3A] {strides = array<i32>} : memref<2048xi32, #tpu.memory_space<vmem>>, vector<16xi32>,
      %swap3A_205 = vector.shape_cast %swap3A_204 : vector<16xi32> to vector<16xi32>
      %swap3A_206 = vector.shape_cast %add3A_203 : vector<16xi32> to vector<16xi32>
      tpu.vector_store %arg5[%swap3A], %swap3A_206 {strides = array<i32>} : memref<2048xi32, #tpu.memory_space<vmem>>, vector<16xi32>,
    }
    %scan3A_8 = arith.constant 128 : i32
    %dma_start3A = arith.constant 0 : i32
    %dma_start3A_9 = tpu.memref_slice %arg5[%dma_start3A] : memref<2048xi32, #tpu.memory_space<vmem>> -> memref<32xi32, #tpu.memory_space<vmem>>
    %dma_start3A_10 = arith.constant 0 : i32
    %dma_start3A_11 = arith.constant 0 : i32
    %dma_start3A_12 = tpu.memref_slice %arg2[%dma_start3A_10, %dma_start3A_11] : memref<65536x512xf32, #tpu.memory_space<hbm>> -> memref<65536x512xf32, #tpu.memory_space<hbm>>
    tpu.enqueue_indirect_dma source(%dma_start3A_12 : memref<65536x512xf32, #tpu.memory_space<hbm>>) target(%arg6 : memref<32x512xf32, #tpu.memory_space<vmem>>) offsets(%dma_start3A_9 : memref<32xi32, #tpu.memory_space<vmem>>) semaphore(%arg9 : memref<!tpu.dma_semaphore, #tpu.memory_space<semaphore_mem>>)
    %dma_start3A_13 = arith.constant 32 : i32
    %dma_start3A_14 = tpu.memref_slice %arg5[%dma_start3A_13] : memref<2048xi32, #tpu.memory_space<vmem>> -> memref<32xi32, #tpu.memory_space<vmem>>
    %dma_start3A_15 = arith.constant 0 : i32
    %dma_start3A_16 = arith.constant 0 : i32
    %dma_start3A_17 = tpu.memref_slice %arg2[%dma_start3A_15, %dma_start3A_16] : memref<65536x512xf32, #tpu.memory_space<hbm>> -> memref<65536x512xf32, #tpu.memory_space<hbm>>
    tpu.enqueue_indirect_dma source(%dma_start3A_17 : memref<65536x512xf32, #tpu.memory_space<hbm>>) target(%arg7 : memref<32x512xf32, #tpu.memory_space<vmem>>) offsets(%dma_start3A_14 : memref<32xi32, #tpu.memory_space<vmem>>) semaphore(%arg10 : memref<!tpu.dma_semaphore, #tpu.memory_space<semaphore_mem>>)
    %dma_wait3A = arith.constant 0 : i32
    %dma_wait3A_18 = tpu.memref_slice %arg5[%dma_wait3A] : memref<2048xi32, #tpu.memory_space<vmem>> -> memref<32xi32, #tpu.memory_space<vmem>>
    %dma_wait3A_19 = arith.constant 0 : i32
    %dma_wait3A_20 = arith.constant 0 : i32
    %dma_wait3A_21 = tpu.memref_slice %arg2[%dma_wait3A_19, %dma_wait3A_20] : memref<65536x512xf32, #tpu.memory_space<hbm>> -> memref<65536x512xf32, #tpu.memory_space<hbm>>
    tpu.wait_indirect_dma semaphore(%arg9 : memref<!tpu.dma_semaphore, #tpu.memory_space<semaphore_mem>>) src(%dma_wait3A_21 : memref<65536x512xf32, #tpu.memory_space<hbm>>) dst(%arg6 : memref<32x512xf32, #tpu.memory_space<vmem>>)
    %dma_start3A_22 = arith.constant 0 : i32
    %dma_start3A_23 = arith.constant 0 : i32
    %dma_start3A_24 = arith.constant 0 : i32
    %dma_start3A_25 = tpu.memref_slice %arg8[%arg1, %dma_start3A_22, %dma_start3A_23, %dma_start3A_24] : memref<16x2x32x512xf32, #tpu.memory_space<vmem_shared>> -> memref<1x1x32x512xf32, #tpu.memory_space<vmem_shared>>
    %dma_start3A_26 = tpu.memref_squeeze %dma_start3A_25 : memref<1x1x32x512xf32, #tpu.memory_space<vmem_shared>> -> memref<32x512xf32, #tpu.memory_space<vmem_shared>>
    %dma_start3A_27 = arith.constant 0 : i32
    %dma_start3A_28 = arith.constant 0 : i32
    %dma_start3A_29 = tpu.memref_slice %arg8[%arg1, %dma_start3A_22, %dma_start3A_27, %dma_start3A_28] : memref<16x2x32x512xf32, #tpu.memory_space<vmem_shared>> -> memref<1x1x32x512xf32, #tpu.memory_space<vmem_shared>>
    %dma_start3A_30 = tpu.memref_squeeze %dma_start3A_29 : memref<1x1x32x512xf32, #tpu.memory_space<vmem_shared>> -> memref<32x512xf32, #tpu.memory_space<vmem_shared>>
    tpu.enqueue_dma source(%arg6 : memref<32x512xf32, #tpu.memory_space<vmem>>) target(%dma_start3A_30 : memref<32x512xf32, #tpu.memory_space<vmem_shared>>) target_semaphore(%arg11 : memref<!tpu.dma_semaphore, #tpu.memory_space<semaphore_mem>>)
    %dma_wait3A_31 = arith.constant 0 : i32
    %dma_wait3A_32 = arith.constant 0 : i32
    %dma_wait3A_33 = arith.constant 0 : i32
    %dma_wait3A_34 = tpu.memref_slice %arg8[%arg1, %dma_wait3A_31, %dma_wait3A_32, %dma_wait3A_33] : memref<16x2x32x512xf32, #tpu.memory_space<vmem_shared>> -> memref<1x1x32x512xf32, #tpu.memory_space<vmem_shared>>
    %dma_wait3A_35 = tpu.memref_squeeze %dma_wait3A_34 : memref<1x1x32x512xf32, #tpu.memory_space<vmem_shared>> -> memref<32x512xf32, #tpu.memory_space<vmem_shared>>
    %dma_wait3A_36 = arith.constant 0 : i32
    %dma_wait3A_37 = arith.constant 0 : i32
    %dma_wait3A_38 = tpu.memref_slice %arg8[%arg1, %dma_wait3A_31, %dma_wait3A_36, %dma_wait3A_37] : memref<16x2x32x512xf32, #tpu.memory_space<vmem_shared>> -> memref<1x1x32x512xf32, #tpu.memory_space<vmem_shared>>
    %dma_wait3A_39 = tpu.memref_squeeze %dma_wait3A_38 : memref<1x1x32x512xf32, #tpu.memory_space<vmem_shared>> -> memref<32x512xf32, #tpu.memory_space<vmem_shared>>
    tpu.wait_dma2 semaphore(%arg11 : memref<!tpu.dma_semaphore, #tpu.memory_space<semaphore_mem>>) src(%arg6 : memref<32x512xf32, #tpu.memory_space<vmem>>) dst(%dma_wait3A_39 : memref<32x512xf32, #tpu.memory_space<vmem_shared>>)
    %dma_start3A_40 = arith.constant 64 : i32
    %dma_start3A_41 = tpu.memref_slice %arg5[%dma_start3A_40] : memref<2048xi32, #tpu.memory_space<vmem>> -> memref<32xi32, #tpu.memory_space<vmem>>
    %dma_start3A_42 = arith.constant 0 : i32
    %dma_start3A_43 = arith.constant 0 : i32
    %dma_start3A_44 = tpu.memref_slice %arg2[%dma_start3A_42, %dma_start3A_43] : memref<65536x512xf32, #tpu.memory_space<hbm>> -> memref<65536x512xf32, #tpu.memory_space<hbm>>
    tpu.enqueue_indirect_dma source(%dma_start3A_44 : memref<65536x512xf32, #tpu.memory_space<hbm>>) target(%arg6 : memref<32x512xf32, #tpu.memory_space<vmem>>) offsets(%dma_start3A_41 : memref<32xi32, #tpu.memory_space<vmem>>) semaphore(%arg9 : memref<!tpu.dma_semaphore, #tpu.memory_space<semaphore_mem>>)
    %add3A_45 = arith.constant 0 : i32
    %add3A_46 = arith.addi %mul3A_2, %add3A_45 : i32
    %dma_start3A_47 = arith.constant 0 : i32
    %dma_start3A_48 = arith.constant 0 : i32
    %dma_start3A_49 = tpu.memref_slice %arg4[%add3A_46, %dma_start3A_48] : memref<65536x512xf32, #tpu.memory_space<hbm>> -> memref<32x512xf32, #tpu.memory_space<hbm>>
    %dma_start3A_50 = arith.constant 0 : i32
    %dma_start3A_51 = arith.constant 0 : i32
    %dma_start3A_52 = tpu.memref_slice %arg8[%arg1, %dma_start3A_47, %dma_start3A_50, %dma_start3A_51] : memref<16x2x32x512xf32, #tpu.memory_space<vmem_shared>> -> memref<1x1x32x512xf32, #tpu.memory_space<vmem_shared>>
    %dma_start3A_53 = tpu.memref_squeeze %dma_start3A_52 : memref<1x1x32x512xf32, #tpu.memory_space<vmem_shared>> -> memref<32x512xf32, #tpu.memory_space<vmem_shared>>
    tpu.enqueue_dma source(%dma_start3A_53 : memref<32x512xf32, #tpu.memory_space<vmem_shared>>) target(%dma_start3A_49 : memref<32x512xf32, #tpu.memory_space<hbm>>) target_semaphore(%arg13 : memref<!tpu.dma_semaphore, #tpu.memory_space<semaphore_mem>>)
    %dma_wait3A_54 = arith.constant 32 : i32
    %dma_wait3A_55 = tpu.memref_slice %arg5[%dma_wait3A_54] : memref<2048xi32, #tpu.memory_space<vmem>> -> memref<32xi32, #tpu.memory_space<vmem>>
    %dma_wait3A_56 = arith.constant 0 : i32
    %dma_wait3A_57 = arith.constant 0 : i32
    %dma_wait3A_58 = tpu.memref_slice %arg2[%dma_wait3A_56, %dma_wait3A_57] : memref<65536x512xf32, #tpu.memory_space<hbm>> -> memref<65536x512xf32, #tpu.memory_space<hbm>>
    tpu.wait_indirect_dma semaphore(%arg10 : memref<!tpu.dma_semaphore, #tpu.memory_space<semaphore_mem>>) src(%dma_wait3A_58 : memref<65536x512xf32, #tpu.memory_space<hbm>>) dst(%arg7 : memref<32x512xf32, #tpu.memory_space<vmem>>)
    %dma_start3A_59 = arith.constant 1 : i32
    %dma_start3A_60 = arith.constant 0 : i32
    %dma_start3A_61 = arith.constant 0 : i32
    %dma_start3A_62 = tpu.memref_slice %arg8[%arg1, %dma_start3A_59, %dma_start3A_60, %dma_start3A_61] : memref<16x2x32x512xf32, #tpu.memory_space<vmem_shared>> -> memref<1x1x32x512xf32, #tpu.memory_space<vmem_shared>>
    %dma_start3A_63 = tpu.memref_squeeze %dma_start3A_62 : memref<1x1x32x512xf32, #tpu.memory_space<vmem_shared>> -> memref<32x512xf32, #tpu.memory_space<vmem_shared>>
    %dma_start3A_64 = arith.constant 0 : i32
    %dma_start3A_65 = arith.constant 0 : i32
    %dma_start3A_66 = tpu.memref_slice %arg8[%arg1, %dma_start3A_59, %dma_start3A_64, %dma_start3A_65] : memref<16x2x32x512xf32, #tpu.memory_space<vmem_shared>> -> memref<1x1x32x512xf32, #tpu.memory_space<vmem_shared>>
    %dma_start3A_67 = tpu.memref_squeeze %dma_start3A_66 : memref<1x1x32x512xf32, #tpu.memory_space<vmem_shared>> -> memref<32x512xf32, #tpu.memory_space<vmem_shared>>
    tpu.enqueue_dma source(%arg7 : memref<32x512xf32, #tpu.memory_space<vmem>>) target(%dma_start3A_67 : memref<32x512xf32, #tpu.memory_space<vmem_shared>>) target_semaphore(%arg12 : memref<!tpu.dma_semaphore, #tpu.memory_space<semaphore_mem>>)
    %dma_wait3A_68 = arith.constant 1 : i32
    %dma_wait3A_69 = arith.constant 0 : i32
    %dma_wait3A_70 = arith.constant 0 : i32
    %dma_wait3A_71 = tpu.memref_slice %arg8[%arg1, %dma_wait3A_68, %dma_wait3A_69, %dma_wait3A_70] : memref<16x2x32x512xf32, #tpu.memory_space<vmem_shared>> -> memref<1x1x32x512xf32, #tpu.memory_space<vmem_shared>>
    %dma_wait3A_72 = tpu.memref_squeeze %dma_wait3A_71 : memref<1x1x32x512xf32, #tpu.memory_space<vmem_shared>> -> memref<32x512xf32, #tpu.memory_space<vmem_shared>>
    %dma_wait3A_73 = arith.constant 0 : i32
    %dma_wait3A_74 = arith.constant 0 : i32
    %dma_wait3A_75 = tpu.memref_slice %arg8[%arg1, %dma_wait3A_68, %dma_wait3A_73, %dma_wait3A_74] : memref<16x2x32x512xf32, #tpu.memory_space<vmem_shared>> -> memref<1x1x32x512xf32, #tpu.memory_space<vmem_shared>>
    %dma_wait3A_76 = tpu.memref_squeeze %dma_wait3A_75 : memref<1x1x32x512xf32, #tpu.memory_space<vmem_shared>> -> memref<32x512xf32, #tpu.memory_space<vmem_shared>>
    tpu.wait_dma2 semaphore(%arg12 : memref<!tpu.dma_semaphore, #tpu.memory_space<semaphore_mem>>) src(%arg7 : memref<32x512xf32, #tpu.memory_space<vmem>>) dst(%dma_wait3A_76 : memref<32x512xf32, #tpu.memory_space<vmem_shared>>)
    %dma_start3A_77 = arith.constant 96 : i32
    %dma_start3A_78 = tpu.memref_slice %arg5[%dma_start3A_77] : memref<2048xi32, #tpu.memory_space<vmem>> -> memref<32xi32, #tpu.memory_space<vmem>>
    %dma_start3A_79 = arith.constant 0 : i32
    %dma_start3A_80 = arith.constant 0 : i32
    %dma_start3A_81 = tpu.memref_slice %arg2[%dma_start3A_79, %dma_start3A_80] : memref<65536x512xf32, #tpu.memory_space<hbm>> -> memref<65536x512xf32, #tpu.memory_space<hbm>>
    tpu.enqueue_indirect_dma source(%dma_start3A_81 : memref<65536x512xf32, #tpu.memory_space<hbm>>) target(%arg7 : memref<32x512xf32, #tpu.memory_space<vmem>>) offsets(%dma_start3A_78 : memref<32xi32, #tpu.memory_space<vmem>>) semaphore(%arg10 : memref<!tpu.dma_semaphore, #tpu.memory_space<semaphore_mem>>)
    %add3A_82 = arith.constant 32 : i32
    %add3A_83 = arith.addi %mul3A_2, %add3A_82 : i32
    %dma_start3A_84 = arith.constant 1 : i32
    %dma_start3A_85 = arith.constant 0 : i32
    %dma_start3A_86 = tpu.memref_slice %arg4[%add3A_83, %dma_start3A_85] : memref<65536x512xf32, #tpu.memory_space<hbm>> -> memref<32x512xf32, #tpu.memory_space<hbm>>
    %dma_start3A_87 = arith.constant 0 : i32
    %dma_start3A_88 = arith.constant 0 : i32
    %dma_start3A_89 = tpu.memref_slice %arg8[%arg1, %dma_start3A_84, %dma_start3A_87, %dma_start3A_88] : memref<16x2x32x512xf32, #tpu.memory_space<vmem_shared>> -> memref<1x1x32x512xf32, #tpu.memory_space<vmem_shared>>
    %dma_start3A_90 = tpu.memref_squeeze %dma_start3A_89 : memref<1x1x32x512xf32, #tpu.memory_space<vmem_shared>> -> memref<32x512xf32, #tpu.memory_space<vmem_shared>>
    tpu.enqueue_dma source(%dma_start3A_90 : memref<32x512xf32, #tpu.memory_space<vmem_shared>>) target(%dma_start3A_86 : memref<32x512xf32, #tpu.memory_space<hbm>>) target_semaphore(%arg14 : memref<!tpu.dma_semaphore, #tpu.memory_space<semaphore_mem>>)
    %scan3A_91 = arith.constant 0 : i32
    %scan3A_92 = arith.constant 1 : i32
    %scan3A_93 = arith.constant 30 : i32
    %scan3A_94 = arith.addi %scan3A_92, %scan3A_93 : i32
    %scan3A_95 = arith.constant 1 : i32
    scf.for %scan3A_197 = %scan3A_92 to %scan3A_94 step %scan3A_95  : i32 {
      %mul3A_198 = arith.constant 2 : i32
      %mul3A_199 = arith.muli %scan3A_197, %mul3A_198 : i32
      %add3A_200 = arith.constant 0 : i32
      %add3A_201 = arith.addi %mul3A_199, %add3A_200 : i32
      %mul3A_202 = arith.constant 32 : i32
      %mul3A_203 = arith.muli %add3A_201, %mul3A_202 : i32
      %dma_wait3A_204 = tpu.memref_slice %arg5[%mul3A_203] : memref<2048xi32, #tpu.memory_space<vmem>> -> memref<32xi32, #tpu.memory_space<vmem>>
      %dma_wait3A_205 = arith.constant 0 : i32
      %dma_wait3A_206 = arith.constant 0 : i32
      %dma_wait3A_207 = tpu.memref_slice %arg2[%dma_wait3A_205, %dma_wait3A_206] : memref<65536x512xf32, #tpu.memory_space<hbm>> -> memref<65536x512xf32, #tpu.memory_space<hbm>>
      tpu.wait_indirect_dma semaphore(%arg9 : memref<!tpu.dma_semaphore, #tpu.memory_space<semaphore_mem>>) src(%dma_wait3A_207 : memref<65536x512xf32, #tpu.memory_space<hbm>>) dst(%arg6 : memref<32x512xf32, #tpu.memory_space<vmem>>)
      %sub3A_208 = arith.constant 2 : i32
      %sub3A_209 = arith.subi %add3A_201, %sub3A_208 : i32
      %mul3A_210 = arith.constant 32 : i32
      %mul3A_211 = arith.muli %sub3A_209, %mul3A_210 : i32
      %add3A_212 = arith.addi %mul3A_2, %mul3A_211 : i32
      %dma_wait3A_213 = arith.constant 0 : i32
      %dma_wait3A_214 = arith.constant 0 : i32
      %dma_wait3A_215 = tpu.memref_slice %arg4[%add3A_212, %dma_wait3A_214] : memref<65536x512xf32, #tpu.memory_space<hbm>> -> memref<32x512xf32, #tpu.memory_space<hbm>>
      %dma_wait3A_216 = arith.constant 0 : i32
      %dma_wait3A_217 = arith.constant 0 : i32
      %dma_wait3A_218 = tpu.memref_slice %arg8[%arg1, %dma_wait3A_213, %dma_wait3A_216, %dma_wait3A_217] : memref<16x2x32x512xf32, #tpu.memory_space<vmem_shared>> -> memref<1x1x32x512xf32, #tpu.memory_space<vmem_shared>>
      %dma_wait3A_219 = tpu.memref_squeeze %dma_wait3A_218 : memref<1x1x32x512xf32, #tpu.memory_space<vmem_shared>> -> memref<32x512xf32, #tpu.memory_space<vmem_shared>>
      tpu.wait_dma2 semaphore(%arg13 : memref<!tpu.dma_semaphore, #tpu.memory_space<semaphore_mem>>) src(%dma_wait3A_219 : memref<32x512xf32, #tpu.memory_space<vmem_shared>>) dst(%dma_wait3A_215 : memref<32x512xf32, #tpu.memory_space<hbm>>)
      %dma_start3A_220 = arith.constant 0 : i32
      %dma_start3A_221 = arith.constant 0 : i32
      %dma_start3A_222 = arith.constant 0 : i32
      %dma_start3A_223 = tpu.memref_slice %arg8[%arg1, %dma_start3A_220, %dma_start3A_221, %dma_start3A_222] : memref<16x2x32x512xf32, #tpu.memory_space<vmem_shared>> -> memref<1x1x32x512xf32, #tpu.memory_space<vmem_shared>>
      %dma_start3A_224 = tpu.memref_squeeze %dma_start3A_223 : memref<1x1x32x512xf32, #tpu.memory_space<vmem_shared>> -> memref<32x512xf32, #tpu.memory_space<vmem_shared>>
      %dma_start3A_225 = arith.constant 0 : i32
      %dma_start3A_226 = arith.constant 0 : i32
      %dma_start3A_227 = tpu.memref_slice %arg8[%arg1, %dma_start3A_220, %dma_start3A_225, %dma_start3A_226] : memref<16x2x32x512xf32, #tpu.memory_space<vmem_shared>> -> memref<1x1x32x512xf32, #tpu.memory_space<vmem_shared>>
      %dma_start3A_228 = tpu.memref_squeeze %dma_start3A_227 : memref<1x1x32x512xf32, #tpu.memory_space<vmem_shared>> -> memref<32x512xf32, #tpu.memory_space<vmem_shared>>
      tpu.enqueue_dma source(%arg6 : memref<32x512xf32, #tpu.memory_space<vmem>>) target(%dma_start3A_228 : memref<32x512xf32, #tpu.memory_space<vmem_shared>>) target_semaphore(%arg11 : memref<!tpu.dma_semaphore, #tpu.memory_space<semaphore_mem>>)
      %dma_wait3A_229 = arith.constant 0 : i32
      %dma_wait3A_230 = arith.constant 0 : i32
      %dma_wait3A_231 = arith.constant 0 : i32
      %dma_wait3A_232 = tpu.memref_slice %arg8[%arg1, %dma_wait3A_229, %dma_wait3A_230, %dma_wait3A_231] : memref<16x2x32x512xf32, #tpu.memory_space<vmem_shared>> -> memref<1x1x32x512xf32, #tpu.memory_space<vmem_shared>>
      %dma_wait3A_233 = tpu.memref_squeeze %dma_wait3A_232 : memref<1x1x32x512xf32, #tpu.memory_space<vmem_shared>> -> memref<32x512xf32, #tpu.memory_space<vmem_shared>>
      %dma_wait3A_234 = arith.constant 0 : i32
      %dma_wait3A_235 = arith.constant 0 : i32
      %dma_wait3A_236 = tpu.memref_slice %arg8[%arg1, %dma_wait3A_229, %dma_wait3A_234, %dma_wait3A_235] : memref<16x2x32x512xf32, #tpu.memory_space<vmem_shared>> -> memref<1x1x32x512xf32, #tpu.memory_space<vmem_shared>>
      %dma_wait3A_237 = tpu.memref_squeeze %dma_wait3A_236 : memref<1x1x32x512xf32, #tpu.memory_space<vmem_shared>> -> memref<32x512xf32, #tpu.memory_space<vmem_shared>>
      tpu.wait_dma2 semaphore(%arg11 : memref<!tpu.dma_semaphore, #tpu.memory_space<semaphore_mem>>) src(%arg6 : memref<32x512xf32, #tpu.memory_space<vmem>>) dst(%dma_wait3A_237 : memref<32x512xf32, #tpu.memory_space<vmem_shared>>)
      %add3A_238 = arith.constant 2 : i32
      %add3A_239 = arith.addi %add3A_201, %add3A_238 : i32
      %mul3A_240 = arith.constant 32 : i32
      %mul3A_241 = arith.muli %add3A_239, %mul3A_240 : i32
      %dma_start3A_242 = tpu.memref_slice %arg5[%mul3A_241] : memref<2048xi32, #tpu.memory_space<vmem>> -> memref<32xi32, #tpu.memory_space<vmem>>
      %dma_start3A_243 = arith.constant 0 : i32
      %dma_start3A_244 = arith.constant 0 : i32
      %dma_start3A_245 = tpu.memref_slice %arg2[%dma_start3A_243, %dma_start3A_244] : memref<65536x512xf32, #tpu.memory_space<hbm>> -> memref<65536x512xf32, #tpu.memory_space<hbm>>
      tpu.enqueue_indirect_dma source(%dma_start3A_245 : memref<65536x512xf32, #tpu.memory_space<hbm>>) target(%arg6 : memref<32x512xf32, #tpu.memory_space<vmem>>) offsets(%dma_start3A_242 : memref<32xi32, #tpu.memory_space<vmem>>) semaphore(%arg9 : memref<!tpu.dma_semaphore, #tpu.memory_space<semaphore_mem>>)
      %mul3A_246 = arith.constant 32 : i32
      %mul3A_247 = arith.muli %add3A_201, %mul3A_246 : i32
      %add3A_248 = arith.addi %mul3A_2, %mul3A_247 : i32
      %dma_start3A_249 = arith.constant 0 : i32
      %dma_start3A_250 = arith.constant 0 : i32
      %dma_start3A_251 = tpu.memref_slice %arg4[%add3A_248, %dma_start3A_250] : memref<65536x512xf32, #tpu.memory_space<hbm>> -> memref<32x512xf32, #tpu.memory_space<hbm>>
      %dma_start3A_252 = arith.constant 0 : i32
      %dma_start3A_253 = arith.constant 0 : i32
      %dma_start3A_254 = tpu.memref_slice %arg8[%arg1, %dma_start3A_249, %dma_start3A_252, %dma_start3A_253] : memref<16x2x32x512xf32, #tpu.memory_space<vmem_shared>> -> memref<1x1x32x512xf32, #tpu.memory_space<vmem_shared>>
      %dma_start3A_255 = tpu.memref_squeeze %dma_start3A_254 : memref<1x1x32x512xf32, #tpu.memory_space<vmem_shared>> -> memref<32x512xf32, #tpu.memory_space<vmem_shared>>
      tpu.enqueue_dma source(%dma_start3A_255 : memref<32x512xf32, #tpu.memory_space<vmem_shared>>) target(%dma_start3A_251 : memref<32x512xf32, #tpu.memory_space<hbm>>) target_semaphore(%arg13 : memref<!tpu.dma_semaphore, #tpu.memory_space<semaphore_mem>>)
      %mul3A_256 = arith.constant 2 : i32
      %mul3A_257 = arith.muli %scan3A_197, %mul3A_256 : i32
      %add3A_258 = arith.constant 1 : i32
      %add3A_259 = arith.addi %mul3A_257, %add3A_258 : i32
      %mul3A_260 = arith.constant 32 : i32
      %mul3A_261 = arith.muli %add3A_259, %mul3A_260 : i32
      %dma_wait3A_262 = tpu.memref_slice %arg5[%mul3A_261] : memref<2048xi32, #tpu.memory_space<vmem>> -> memref<32xi32, #tpu.memory_space<vmem>>
      %dma_wait3A_263 = arith.constant 0 : i32
      %dma_wait3A_264 = arith.constant 0 : i32
      %dma_wait3A_265 = tpu.memref_slice %arg2[%dma_wait3A_263, %dma_wait3A_264] : memref<65536x512xf32, #tpu.memory_space<hbm>> -> memref<65536x512xf32, #tpu.memory_space<hbm>>
      tpu.wait_indirect_dma semaphore(%arg10 : memref<!tpu.dma_semaphore, #tpu.memory_space<semaphore_mem>>) src(%dma_wait3A_265 : memref<65536x512xf32, #tpu.memory_space<hbm>>) dst(%arg7 : memref<32x512xf32, #tpu.memory_space<vmem>>)
      %sub3A_266 = arith.constant 2 : i32
      %sub3A_267 = arith.subi %add3A_259, %sub3A_266 : i32
      %mul3A_268 = arith.constant 32 : i32
      %mul3A_269 = arith.muli %sub3A_267, %mul3A_268 : i32
      %add3A_270 = arith.addi %mul3A_2, %mul3A_269 : i32
      %dma_wait3A_271 = arith.constant 1 : i32
      %dma_wait3A_272 = arith.constant 0 : i32
      %dma_wait3A_273 = tpu.memref_slice %arg4[%add3A_270, %dma_wait3A_272] : memref<65536x512xf32, #tpu.memory_space<hbm>> -> memref<32x512xf32, #tpu.memory_space<hbm>>
      %dma_wait3A_274 = arith.constant 0 : i32
      %dma_wait3A_275 = arith.constant 0 : i32
      %dma_wait3A_276 = tpu.memref_slice %arg8[%arg1, %dma_wait3A_271, %dma_wait3A_274, %dma_wait3A_275] : memref<16x2x32x512xf32, #tpu.memory_space<vmem_shared>> -> memref<1x1x32x512xf32, #tpu.memory_space<vmem_shared>>
      %dma_wait3A_277 = tpu.memref_squeeze %dma_wait3A_276 : memref<1x1x32x512xf32, #tpu.memory_space<vmem_shared>> -> memref<32x512xf32, #tpu.memory_space<vmem_shared>>
      tpu.wait_dma2 semaphore(%arg14 : memref<!tpu.dma_semaphore, #tpu.memory_space<semaphore_mem>>) src(%dma_wait3A_277 : memref<32x512xf32, #tpu.memory_space<vmem_shared>>) dst(%dma_wait3A_273 : memref<32x512xf32, #tpu.memory_space<hbm>>)
      %dma_start3A_278 = arith.constant 1 : i32
      %dma_start3A_279 = arith.constant 0 : i32
      %dma_start3A_280 = arith.constant 0 : i32
      %dma_start3A_281 = tpu.memref_slice %arg8[%arg1, %dma_start3A_278, %dma_start3A_279, %dma_start3A_280] : memref<16x2x32x512xf32, #tpu.memory_space<vmem_shared>> -> memref<1x1x32x512xf32, #tpu.memory_space<vmem_shared>>
      %dma_start3A_282 = tpu.memref_squeeze %dma_start3A_281 : memref<1x1x32x512xf32, #tpu.memory_space<vmem_shared>> -> memref<32x512xf32, #tpu.memory_space<vmem_shared>>
      %dma_start3A_283 = arith.constant 0 : i32
      %dma_start3A_284 = arith.constant 0 : i32
      %dma_start3A_285 = tpu.memref_slice %arg8[%arg1, %dma_start3A_278, %dma_start3A_283, %dma_start3A_284] : memref<16x2x32x512xf32, #tpu.memory_space<vmem_shared>> -> memref<1x1x32x512xf32, #tpu.memory_space<vmem_shared>>
      %dma_start3A_286 = tpu.memref_squeeze %dma_start3A_285 : memref<1x1x32x512xf32, #tpu.memory_space<vmem_shared>> -> memref<32x512xf32, #tpu.memory_space<vmem_shared>>
      tpu.enqueue_dma source(%arg7 : memref<32x512xf32, #tpu.memory_space<vmem>>) target(%dma_start3A_286 : memref<32x512xf32, #tpu.memory_space<vmem_shared>>) target_semaphore(%arg12 : memref<!tpu.dma_semaphore, #tpu.memory_space<semaphore_mem>>)
      %dma_wait3A_287 = arith.constant 1 : i32
      %dma_wait3A_288 = arith.constant 0 : i32
      %dma_wait3A_289 = arith.constant 0 : i32
      %dma_wait3A_290 = tpu.memref_slice %arg8[%arg1, %dma_wait3A_287, %dma_wait3A_288, %dma_wait3A_289] : memref<16x2x32x512xf32, #tpu.memory_space<vmem_shared>> -> memref<1x1x32x512xf32, #tpu.memory_space<vmem_shared>>
      %dma_wait3A_291 = tpu.memref_squeeze %dma_wait3A_290 : memref<1x1x32x512xf32, #tpu.memory_space<vmem_shared>> -> memref<32x512xf32, #tpu.memory_space<vmem_shared>>
      %dma_wait3A_292 = arith.constant 0 : i32
      %dma_wait3A_293 = arith.constant 0 : i32
      %dma_wait3A_294 = tpu.memref_slice %arg8[%arg1, %dma_wait3A_287, %dma_wait3A_292, %dma_wait3A_293] : memref<16x2x32x512xf32, #tpu.memory_space<vmem_shared>> -> memref<1x1x32x512xf32, #tpu.memory_space<vmem_shared>>
      %dma_wait3A_295 = tpu.memref_squeeze %dma_wait3A_294 : memref<1x1x32x512xf32, #tpu.memory_space<vmem_shared>> -> memref<32x512xf32, #tpu.memory_space<vmem_shared>>
      tpu.wait_dma2 semaphore(%arg12 : memref<!tpu.dma_semaphore, #tpu.memory_space<semaphore_mem>>) src(%arg7 : memref<32x512xf32, #tpu.memory_space<vmem>>) dst(%dma_wait3A_295 : memref<32x512xf32, #tpu.memory_space<vmem_shared>>)
      %add3A_296 = arith.constant 2 : i32
      %add3A_297 = arith.addi %add3A_259, %add3A_296 : i32
      %mul3A_298 = arith.constant 32 : i32
      %mul3A_299 = arith.muli %add3A_297, %mul3A_298 : i32
      %dma_start3A_300 = tpu.memref_slice %arg5[%mul3A_299] : memref<2048xi32, #tpu.memory_space<vmem>> -> memref<32xi32, #tpu.memory_space<vmem>>
      %dma_start3A_301 = arith.constant 0 : i32
      %dma_start3A_302 = arith.constant 0 : i32
      %dma_start3A_303 = tpu.memref_slice %arg2[%dma_start3A_301, %dma_start3A_302] : memref<65536x512xf32, #tpu.memory_space<hbm>> -> memref<65536x512xf32, #tpu.memory_space<hbm>>
      tpu.enqueue_indirect_dma source(%dma_start3A_303 : memref<65536x512xf32, #tpu.memory_space<hbm>>) target(%arg7 : memref<32x512xf32, #tpu.memory_space<vmem>>) offsets(%dma_start3A_300 : memref<32xi32, #tpu.memory_space<vmem>>) semaphore(%arg10 : memref<!tpu.dma_semaphore, #tpu.memory_space<semaphore_mem>>)
      %mul3A_304 = arith.constant 32 : i32
      %mul3A_305 = arith.muli %add3A_259, %mul3A_304 : i32
      %add3A_306 = arith.addi %mul3A_2, %mul3A_305 : i32
      %dma_start3A_307 = arith.constant 1 : i32
      %dma_start3A_308 = arith.constant 0 : i32
      %dma_start3A_309 = tpu.memref_slice %arg4[%add3A_306, %dma_start3A_308] : memref<65536x512xf32, #tpu.memory_space<hbm>> -> memref<32x512xf32, #tpu.memory_space<hbm>>
      %dma_start3A_310 = arith.constant 0 : i32
      %dma_start3A_311 = arith.constant 0 : i32
      %dma_start3A_312 = tpu.memref_slice %arg8[%arg1, %dma_start3A_307, %dma_start3A_310, %dma_start3A_311] : memref<16x2x32x512xf32, #tpu.memory_space<vmem_shared>> -> memref<1x1x32x512xf32, #tpu.memory_space<vmem_shared>>
      %dma_start3A_313 = tpu.memref_squeeze %dma_start3A_312 : memref<1x1x32x512xf32, #tpu.memory_space<vmem_shared>> -> memref<32x512xf32, #tpu.memory_space<vmem_shared>>
      tpu.enqueue_dma source(%dma_start3A_313 : memref<32x512xf32, #tpu.memory_space<vmem_shared>>) target(%dma_start3A_309 : memref<32x512xf32, #tpu.memory_space<hbm>>) target_semaphore(%arg14 : memref<!tpu.dma_semaphore, #tpu.memory_space<semaphore_mem>>)
    }
    %scan3A_96 = arith.constant 30 : i32
    %dma_wait3A_97 = arith.constant 1984 : i32
    %dma_wait3A_98 = tpu.memref_slice %arg5[%dma_wait3A_97] : memref<2048xi32, #tpu.memory_space<vmem>> -> memref<32xi32, #tpu.memory_space<vmem>>
    %dma_wait3A_99 = arith.constant 0 : i32
    %dma_wait3A_100 = arith.constant 0 : i32
    %dma_wait3A_101 = tpu.memref_slice %arg2[%dma_wait3A_99, %dma_wait3A_100] : memref<65536x512xf32, #tpu.memory_space<hbm>> -> memref<65536x512xf32, #tpu.memory_space<hbm>>
    tpu.wait_indirect_dma semaphore(%arg9 : memref<!tpu.dma_semaphore, #tpu.memory_space<semaphore_mem>>) src(%dma_wait3A_101 : memref<65536x512xf32, #tpu.memory_space<hbm>>) dst(%arg6 : memref<32x512xf32, #tpu.memory_space<vmem>>)
    %add3A_102 = arith.constant 1920 : i32
    %add3A_103 = arith.addi %mul3A_2, %add3A_102 : i32
    %dma_wait3A_104 = arith.constant 0 : i32
    %dma_wait3A_105 = arith.constant 0 : i32
    %dma_wait3A_106 = tpu.memref_slice %arg4[%add3A_103, %dma_wait3A_105] : memref<65536x512xf32, #tpu.memory_space<hbm>> -> memref<32x512xf32, #tpu.memory_space<hbm>>
    %dma_wait3A_107 = arith.constant 0 : i32
    %dma_wait3A_108 = arith.constant 0 : i32
    %dma_wait3A_109 = tpu.memref_slice %arg8[%arg1, %dma_wait3A_104, %dma_wait3A_107, %dma_wait3A_108] : memref<16x2x32x512xf32, #tpu.memory_space<vmem_shared>> -> memref<1x1x32x512xf32, #tpu.memory_space<vmem_shared>>
    %dma_wait3A_110 = tpu.memref_squeeze %dma_wait3A_109 : memref<1x1x32x512xf32, #tpu.memory_space<vmem_shared>> -> memref<32x512xf32, #tpu.memory_space<vmem_shared>>
    tpu.wait_dma2 semaphore(%arg13 : memref<!tpu.dma_semaphore, #tpu.memory_space<semaphore_mem>>) src(%dma_wait3A_110 : memref<32x512xf32, #tpu.memory_space<vmem_shared>>) dst(%dma_wait3A_106 : memref<32x512xf32, #tpu.memory_space<hbm>>)
    %dma_start3A_111 = arith.constant 0 : i32
    %dma_start3A_112 = arith.constant 0 : i32
    %dma_start3A_113 = arith.constant 0 : i32
    %dma_start3A_114 = tpu.memref_slice %arg8[%arg1, %dma_start3A_111, %dma_start3A_112, %dma_start3A_113] : memref<16x2x32x512xf32, #tpu.memory_space<vmem_shared>> -> memref<1x1x32x512xf32, #tpu.memory_space<vmem_shared>>
    %dma_start3A_115 = tpu.memref_squeeze %dma_start3A_114 : memref<1x1x32x512xf32, #tpu.memory_space<vmem_shared>> -> memref<32x512xf32, #tpu.memory_space<vmem_shared>>
    %dma_start3A_116 = arith.constant 0 : i32
    %dma_start3A_117 = arith.constant 0 : i32
    %dma_start3A_118 = tpu.memref_slice %arg8[%arg1, %dma_start3A_111, %dma_start3A_116, %dma_start3A_117] : memref<16x2x32x512xf32, #tpu.memory_space<vmem_shared>> -> memref<1x1x32x512xf32, #tpu.memory_space<vmem_shared>>
    %dma_start3A_119 = tpu.memref_squeeze %dma_start3A_118 : memref<1x1x32x512xf32, #tpu.memory_space<vmem_shared>> -> memref<32x512xf32, #tpu.memory_space<vmem_shared>>
    tpu.enqueue_dma source(%arg6 : memref<32x512xf32, #tpu.memory_space<vmem>>) target(%dma_start3A_119 : memref<32x512xf32, #tpu.memory_space<vmem_shared>>) target_semaphore(%arg11 : memref<!tpu.dma_semaphore, #tpu.memory_space<semaphore_mem>>)
    %dma_wait3A_120 = arith.constant 0 : i32
    %dma_wait3A_121 = arith.constant 0 : i32
    %dma_wait3A_122 = arith.constant 0 : i32
    %dma_wait3A_123 = tpu.memref_slice %arg8[%arg1, %dma_wait3A_120, %dma_wait3A_121, %dma_wait3A_122] : memref<16x2x32x512xf32, #tpu.memory_space<vmem_shared>> -> memref<1x1x32x512xf32, #tpu.memory_space<vmem_shared>>
    %dma_wait3A_124 = tpu.memref_squeeze %dma_wait3A_123 : memref<1x1x32x512xf32, #tpu.memory_space<vmem_shared>> -> memref<32x512xf32, #tpu.memory_space<vmem_shared>>
    %dma_wait3A_125 = arith.constant 0 : i32
    %dma_wait3A_126 = arith.constant 0 : i32
    %dma_wait3A_127 = tpu.memref_slice %arg8[%arg1, %dma_wait3A_120, %dma_wait3A_125, %dma_wait3A_126] : memref<16x2x32x512xf32, #tpu.memory_space<vmem_shared>> -> memref<1x1x32x512xf32, #tpu.memory_space<vmem_shared>>
    %dma_wait3A_128 = tpu.memref_squeeze %dma_wait3A_127 : memref<1x1x32x512xf32, #tpu.memory_space<vmem_shared>> -> memref<32x512xf32, #tpu.memory_space<vmem_shared>>
    tpu.wait_dma2 semaphore(%arg11 : memref<!tpu.dma_semaphore, #tpu.memory_space<semaphore_mem>>) src(%arg6 : memref<32x512xf32, #tpu.memory_space<vmem>>) dst(%dma_wait3A_128 : memref<32x512xf32, #tpu.memory_space<vmem_shared>>)
    %add3A_129 = arith.constant 1984 : i32
    %add3A_130 = arith.addi %mul3A_2, %add3A_129 : i32
    %dma_start3A_131 = arith.constant 0 : i32
    %dma_start3A_132 = arith.constant 0 : i32
    %dma_start3A_133 = tpu.memref_slice %arg4[%add3A_130, %dma_start3A_132] : memref<65536x512xf32, #tpu.memory_space<hbm>> -> memref<32x512xf32, #tpu.memory_space<hbm>>
    %dma_start3A_134 = arith.constant 0 : i32
    %dma_start3A_135 = arith.constant 0 : i32
    %dma_start3A_136 = tpu.memref_slice %arg8[%arg1, %dma_start3A_131, %dma_start3A_134, %dma_start3A_135] : memref<16x2x32x512xf32, #tpu.memory_space<vmem_shared>> -> memref<1x1x32x512xf32, #tpu.memory_space<vmem_shared>>
    %dma_start3A_137 = tpu.memref_squeeze %dma_start3A_136 : memref<1x1x32x512xf32, #tpu.memory_space<vmem_shared>> -> memref<32x512xf32, #tpu.memory_space<vmem_shared>>
    tpu.enqueue_dma source(%dma_start3A_137 : memref<32x512xf32, #tpu.memory_space<vmem_shared>>) target(%dma_start3A_133 : memref<32x512xf32, #tpu.memory_space<hbm>>) target_semaphore(%arg13 : memref<!tpu.dma_semaphore, #tpu.memory_space<semaphore_mem>>)
    %dma_wait3A_138 = arith.constant 2016 : i32
    %dma_wait3A_139 = tpu.memref_slice %arg5[%dma_wait3A_138] : memref<2048xi32, #tpu.memory_space<vmem>> -> memref<32xi32, #tpu.memory_space<vmem>>
    %dma_wait3A_140 = arith.constant 0 : i32
    %dma_wait3A_141 = arith.constant 0 : i32
    %dma_wait3A_142 = tpu.memref_slice %arg2[%dma_wait3A_140, %dma_wait3A_141] : memref<65536x512xf32, #tpu.memory_space<hbm>> -> memref<65536x512xf32, #tpu.memory_space<hbm>>
    tpu.wait_indirect_dma semaphore(%arg10 : memref<!tpu.dma_semaphore, #tpu.memory_space<semaphore_mem>>) src(%dma_wait3A_142 : memref<65536x512xf32, #tpu.memory_space<hbm>>) dst(%arg7 : memref<32x512xf32, #tpu.memory_space<vmem>>)
    %add3A_143 = arith.constant 1952 : i32
    %add3A_144 = arith.addi %mul3A_2, %add3A_143 : i32
    %dma_wait3A_145 = arith.constant 1 : i32
    %dma_wait3A_146 = arith.constant 0 : i32
    %dma_wait3A_147 = tpu.memref_slice %arg4[%add3A_144, %dma_wait3A_146] : memref<65536x512xf32, #tpu.memory_space<hbm>> -> memref<32x512xf32, #tpu.memory_space<hbm>>
    %dma_wait3A_148 = arith.constant 0 : i32
    %dma_wait3A_149 = arith.constant 0 : i32
    %dma_wait3A_150 = tpu.memref_slice %arg8[%arg1, %dma_wait3A_145, %dma_wait3A_148, %dma_wait3A_149] : memref<16x2x32x512xf32, #tpu.memory_space<vmem_shared>> -> memref<1x1x32x512xf32, #tpu.memory_space<vmem_shared>>
    %dma_wait3A_151 = tpu.memref_squeeze %dma_wait3A_150 : memref<1x1x32x512xf32, #tpu.memory_space<vmem_shared>> -> memref<32x512xf32, #tpu.memory_space<vmem_shared>>
    tpu.wait_dma2 semaphore(%arg14 : memref<!tpu.dma_semaphore, #tpu.memory_space<semaphore_mem>>) src(%dma_wait3A_151 : memref<32x512xf32, #tpu.memory_space<vmem_shared>>) dst(%dma_wait3A_147 : memref<32x512xf32, #tpu.memory_space<hbm>>)
    %dma_start3A_152 = arith.constant 1 : i32
    %dma_start3A_153 = arith.constant 0 : i32
    %dma_start3A_154 = arith.constant 0 : i32
    %dma_start3A_155 = tpu.memref_slice %arg8[%arg1, %dma_start3A_152, %dma_start3A_153, %dma_start3A_154] : memref<16x2x32x512xf32, #tpu.memory_space<vmem_shared>> -> memref<1x1x32x512xf32, #tpu.memory_space<vmem_shared>>
    %dma_start3A_156 = tpu.memref_squeeze %dma_start3A_155 : memref<1x1x32x512xf32, #tpu.memory_space<vmem_shared>> -> memref<32x512xf32, #tpu.memory_space<vmem_shared>>
    %dma_start3A_157 = arith.constant 0 : i32
    %dma_start3A_158 = arith.constant 0 : i32
    %dma_start3A_159 = tpu.memref_slice %arg8[%arg1, %dma_start3A_152, %dma_start3A_157, %dma_start3A_158] : memref<16x2x32x512xf32, #tpu.memory_space<vmem_shared>> -> memref<1x1x32x512xf32, #tpu.memory_space<vmem_shared>>
    %dma_start3A_160 = tpu.memref_squeeze %dma_start3A_159 : memref<1x1x32x512xf32, #tpu.memory_space<vmem_shared>> -> memref<32x512xf32, #tpu.memory_space<vmem_shared>>
    tpu.enqueue_dma source(%arg7 : memref<32x512xf32, #tpu.memory_space<vmem>>) target(%dma_start3A_160 : memref<32x512xf32, #tpu.memory_space<vmem_shared>>) target_semaphore(%arg12 : memref<!tpu.dma_semaphore, #tpu.memory_space<semaphore_mem>>)
    %dma_wait3A_161 = arith.constant 1 : i32
    %dma_wait3A_162 = arith.constant 0 : i32
    %dma_wait3A_163 = arith.constant 0 : i32
    %dma_wait3A_164 = tpu.memref_slice %arg8[%arg1, %dma_wait3A_161, %dma_wait3A_162, %dma_wait3A_163] : memref<16x2x32x512xf32, #tpu.memory_space<vmem_shared>> -> memref<1x1x32x512xf32, #tpu.memory_space<vmem_shared>>
    %dma_wait3A_165 = tpu.memref_squeeze %dma_wait3A_164 : memref<1x1x32x512xf32, #tpu.memory_space<vmem_shared>> -> memref<32x512xf32, #tpu.memory_space<vmem_shared>>
    %dma_wait3A_166 = arith.constant 0 : i32
    %dma_wait3A_167 = arith.constant 0 : i32
    %dma_wait3A_168 = tpu.memref_slice %arg8[%arg1, %dma_wait3A_161, %dma_wait3A_166, %dma_wait3A_167] : memref<16x2x32x512xf32, #tpu.memory_space<vmem_shared>> -> memref<1x1x32x512xf32, #tpu.memory_space<vmem_shared>>
    %dma_wait3A_169 = tpu.memref_squeeze %dma_wait3A_168 : memref<1x1x32x512xf32, #tpu.memory_space<vmem_shared>> -> memref<32x512xf32, #tpu.memory_space<vmem_shared>>
    tpu.wait_dma2 semaphore(%arg12 : memref<!tpu.dma_semaphore, #tpu.memory_space<semaphore_mem>>) src(%arg7 : memref<32x512xf32, #tpu.memory_space<vmem>>) dst(%dma_wait3A_169 : memref<32x512xf32, #tpu.memory_space<vmem_shared>>)
    %add3A_170 = arith.constant 2016 : i32
    %add3A_171 = arith.addi %mul3A_2, %add3A_170 : i32
    %dma_start3A_172 = arith.constant 1 : i32
    %dma_start3A_173 = arith.constant 0 : i32
    %dma_start3A_174 = tpu.memref_slice %arg4[%add3A_171, %dma_start3A_173] : memref<65536x512xf32, #tpu.memory_space<hbm>> -> memref<32x512xf32, #tpu.memory_space<hbm>>
    %dma_start3A_175 = arith.constant 0 : i32
    %dma_start3A_176 = arith.constant 0 : i32
    %dma_start3A_177 = tpu.memref_slice %arg8[%arg1, %dma_start3A_172, %dma_start3A_175, %dma_start3A_176] : memref<16x2x32x512xf32, #tpu.memory_space<vmem_shared>> -> memref<1x1x32x512xf32, #tpu.memory_space<vmem_shared>>
    %dma_start3A_178 = tpu.memref_squeeze %dma_start3A_177 : memref<1x1x32x512xf32, #tpu.memory_space<vmem_shared>> -> memref<32x512xf32, #tpu.memory_space<vmem_shared>>
    tpu.enqueue_dma source(%dma_start3A_178 : memref<32x512xf32, #tpu.memory_space<vmem_shared>>) target(%dma_start3A_174 : memref<32x512xf32, #tpu.memory_space<hbm>>) target_semaphore(%arg14 : memref<!tpu.dma_semaphore, #tpu.memory_space<semaphore_mem>>)
    %add3A_179 = arith.constant 1984 : i32
    %add3A_180 = arith.addi %mul3A_2, %add3A_179 : i32
    %dma_wait3A_181 = arith.constant 0 : i32
    %dma_wait3A_182 = arith.constant 0 : i32
    %dma_wait3A_183 = tpu.memref_slice %arg4[%add3A_180, %dma_wait3A_182] : memref<65536x512xf32, #tpu.memory_space<hbm>> -> memref<32x512xf32, #tpu.memory_space<hbm>>
    %dma_wait3A_184 = arith.constant 0 : i32
    %dma_wait3A_185 = arith.constant 0 : i32
    %dma_wait3A_186 = tpu.memref_slice %arg8[%arg1, %dma_wait3A_181, %dma_wait3A_184, %dma_wait3A_185] : memref<16x2x32x512xf32, #tpu.memory_space<vmem_shared>> -> memref<1x1x32x512xf32, #tpu.memory_space<vmem_shared>>
    %dma_wait3A_187 = tpu.memref_squeeze %dma_wait3A_186 : memref<1x1x32x512xf32, #tpu.memory_space<vmem_shared>> -> memref<32x512xf32, #tpu.memory_space<vmem_shared>>
    tpu.wait_dma2 semaphore(%arg13 : memref<!tpu.dma_semaphore, #tpu.memory_space<semaphore_mem>>) src(%dma_wait3A_187 : memref<32x512xf32, #tpu.memory_space<vmem_shared>>) dst(%dma_wait3A_183 : memref<32x512xf32, #tpu.memory_space<hbm>>)
    %add3A_188 = arith.constant 2016 : i32
    %add3A_189 = arith.addi %mul3A_2, %add3A_188 : i32
    %dma_wait3A_190 = arith.constant 1 : i32
    %dma_wait3A_191 = arith.constant 0 : i32
    %dma_wait3A_192 = tpu.memref_slice %arg4[%add3A_189, %dma_wait3A_191] : memref<65536x512xf32, #tpu.memory_space<hbm>> -> memref<32x512xf32, #tpu.memory_space<hbm>>
    %dma_wait3A_193 = arith.constant 0 : i32
    %dma_wait3A_194 = arith.constant 0 : i32
    %dma_wait3A_195 = tpu.memref_slice %arg8[%arg1, %dma_wait3A_190, %dma_wait3A_193, %dma_wait3A_194] : memref<16x2x32x512xf32, #tpu.memory_space<vmem_shared>> -> memref<1x1x32x512xf32, #tpu.memory_space<vmem_shared>>
    %dma_wait3A_196 = tpu.memref_squeeze %dma_wait3A_195 : memref<1x1x32x512xf32, #tpu.memory_space<vmem_shared>> -> memref<32x512xf32, #tpu.memory_space<vmem_shared>>
    tpu.wait_dma2 semaphore(%arg14 : memref<!tpu.dma_semaphore, #tpu.memory_space<semaphore_mem>>) src(%dma_wait3A_196 : memref<32x512xf32, #tpu.memory_space<vmem_shared>>) dst(%dma_wait3A_192 : memref<32x512xf32, #tpu.memory_space<hbm>>)
    return
  }
}

</mosaic_0001>

<sc_bundles>
// kernel: kernel.3.cloned.1.call-start
scs
__scs_entry_jumppad:
0x0: {  	(pc) =	sbr.rel $0x88, $3  }
0x1: {  	(tag) =	ssettag $0x0;
	lr =	simm.s32 $0x1  }
0x2: {  	[smem:$0x3F9F] =	sst lr;
	_ =	strace $0xD0000000  }
0x3: {  	_ = 	snop  }
0x4: {  	_ = 	snop  }
0x5: {  	_ = 	snop  }
0x6: {  	_ = 	snop  }
0x7: {  	_ = 	snop  }
__scs_overlays_trampoline_lowered:
0x8: {  	[smem:$0x3FAE] =	sst s0  }
0x9: {  	[smem:$0x3FAF] =	sst s1  }
0xa: {  	[smem:$0x3FB0] =	sst s2  }
0xb: {  	[smem:$0x3FB1] =	sst s3  }
0xc: {  	[smem:$0x3FB2] =	sst s4  }
0xd: {  	[smem:$0x3FB3] =	sst s5  }
0xe: {  	[smem:$0x3FB4] =	sst s6  }
0xf: {  	[smem:$0x3FB5] =	sst s7  }
0x10: {  	[smem:$0x3FB6] =	sst s8  }
0x11: {  	[smem:$0x3FB7] =	sst s9;
	s0 =	simm.s32 @!p0 $0x0  }
0x12: {  	s1 =	sld [smem:$0x3F9D];
	s0 =	simm.s32 @p0 $0x1  }
0x13: {  	[smem:$0x3FB8] =	sst s0;
	s0 =	simm.s32 @!p1 $0x0  }
0x14: {  	s2 =	sld [smem:$0x3F9C];
	s0 =	simm.s32 @p1 $0x1  }
0x15: {  	[smem:$0x3FB9] =	sst s0;
	s0 =	simm.s32 @!p2 $0x0  }
0x16: {  	s3 =	sld [smem:$0x3FDB];
	s0 =	simm.s32 @p2 $0x1  }
0x17: {  	s4 =	simm.s32 $0x1BF5;
	[smem:$0x3FBB] =	sst s0  }
0x18: {  	s0 =	sld [smem:$0x3F9E];
	_ =	swait.ge [sflag:s4], $0x0  }
0x19: {  	s7 =	sld [smem:$0x3F9F]  }
0x1a: {  	s8 =	sadd.s32 $0xFFFFE003, lr  }
0x1b: {  	s9 =	sadd.s32 $0xFFFFFEF7, lr;
	s5 =	simm.s32 $0xFFFFFFFF;
	p2 =	slt.u32 s8, $0xFFFFF086  }
0x1c: {  	p1 =	slt.u32 s9, $0xF7A;
	s5 =	simm.s32 @!p2 $0x0  }
0x1d: {  	s5 =	simm.s32 @p1 $0x1;
	p0 =	seq.s32 s7, s2  }
0x1e: {  	s7 =	smul.u32 @!p0 $0xF7A, s2;
	p2 =	seq.s32 @!p0 s5, $0x0  }
0x1f: {  	s9 =	smul.u32 $0xF7A, s1;
	s8 =	simm.s32 @!p0 $0x1BF5;
	p2 =	por !p2, p0  }
0x20: {  	[sflag:s8] =	ssyncset.s32 @!p0 $0xFFFFF086;
	s6 =	sadd.s32 @!p0 s3, s7;
	s7 =	simm.s32 @!p0 $0x108  }
0x21: {  	s3 =	sadd.s32 s3, s9;
	s6 =	sadd.s32 @!p0 $0x88, s6;
	s7 =	simm.s32 @p2 $0x1082  }
0x22: {  	[simem:s7], [sflag:s8] =	dma.local @!p0 [hbm:s6], $0xF7A  }
0x23: {  	s9 =	sor.u32 $0xD0000000, s2;
	s6 =	simm.s32 $0x108;
	_ =	swait.ge @!p0 [sflag:s8], $0x0  }
0x24: {  	s3 =	sadd.s32 $0x88, s3;
	s6 =	simm.s32 @!p1 $0x1082;
	[sflag:s4] =	ssyncset.s32 $0xFFFFF086  }
0x25: {  	[simem:s6], [sflag:s4] =	dma.local [hbm:s3], $0xF7A  }
0x26: {  	[smem:$0x3F9F] =	sst s1;
	(tag) =	ssettag s2;
	_ =	strace s9  }
0x27: {  	s1 =	sld [smem:$0x3FAF]  }
0x28: {  	s2 =	sld [smem:$0x3FB0]  }
0x29: {  	s4 =	sld [smem:$0x3FB2]  }
0x2a: {  	p0 =	seq.s32 s5, $0x0;
	s5 =	sld [smem:$0x3FB3]  }
0x2b: {  	s6 =	sld [smem:$0x3FB4]  }
0x2c: {  	s7 =	sld [smem:$0x3FB5]  }
0x2d: {  	s3 =	simm.s32 $0x108;
	s8 =	sld [smem:$0x3FB6]  }
0x2e: {  	s3 =	simm.s32 @!p0 $0x1082;
	s9 =	sld [smem:$0x3FB7]  }
0x2f: {  	lr =	sadd.s32 s0, s3;
	s0 =	sld [smem:$0x3FAE]  }
0x30: {  	s3 =	sld [smem:$0x3FB1]  }
0x31: {  	[smem:$0x3FBA] =	sst s10  }
0x32: {  	s10 =	sld [smem:$0x3FB8];
	_ =	sdelay $0x3  }
0x33: {  	p0 =	seq.s32 s10, $0x1;
	s10 =	sld [smem:$0x3FBA];
	_ =	sdelay $0x3  }
0x34: {  	[smem:$0x3FBA] =	sst s10  }
0x35: {  	s10 =	sld [smem:$0x3FB9];
	_ =	sdelay $0x3  }
0x36: {  	p1 =	seq.s32 s10, $0x1;
	s10 =	sld [smem:$0x3FBA];
	_ =	sdelay $0x3  }
0x37: {  	[smem:$0x3FBA] =	sst s10  }
0x38: {  	s10 =	sld [smem:$0x3FBB]  }
0x39: {  	_ = 	snop;
	(pc) =	sbr.ind lr, $3  }
0x3a: {  	_ = 	snop  }
0x3b: {  	_ = 	snop  }
0x3c: {  	p2 =	seq.s32 s10, $0x1;
	s10 =	sld [smem:$0x3FBA]  }
0x3d: {  	_ =	shalt  }
0x3e: {  	_ =	shalt  }
0x3f: {  	_ =	shalt  }
0x40: {  	_ =	shalt  }
0x41: {  	_ =	shalt  }
0x42: {  	_ =	shalt  }
0x43: {  	_ =	shalt  }
0x44: {  	_ =	shalt  }
0x45: {  	_ =	shalt  }
0x46: {  	_ =	shalt  }
0x47: {  	_ =	shalt  }
0x48: {  	_ =	shalt  }
0x49: {  	_ =	shalt  }
0x4a: {  	_ =	shalt  }
0x4b: {  	_ =	shalt  }
0x4c: {  	_ =	shalt  }
0x4d: {  	_ =	shalt  }
0x4e: {  	_ =	shalt  }
0x4f: {  	_ =	shalt  }
0x50: {  	_ =	shalt  }
0x51: {  	_ =	shalt  }
0x52: {  	_ =	shalt  }
0x53: {  	_ =	shalt  }
0x54: {  	_ =	shalt  }
0x55: {  	_ =	shalt  }
0x56: {  	_ =	shalt  }
0x57: {  	_ =	shalt  }
0x58: {  	_ =	shalt  }
0x59: {  	_ =	shalt  }
0x5a: {  	_ =	shalt  }
0x5b: {  	_ =	shalt  }
0x5c: {  	_ =	shalt  }
0x5d: {  	_ =	shalt  }
0x5e: {  	_ =	shalt  }
0x5f: {  	_ =	shalt  }
0x60: {  	_ =	shalt  }
0x61: {  	_ =	shalt  }
0x62: {  	_ =	shalt  }
0x63: {  	_ =	shalt  }
0x64: {  	_ =	shalt  }
0x65: {  	_ =	shalt  }
0x66: {  	_ =	shalt  }
0x67: {  	_ =	shalt  }
0x68: {  	_ =	shalt  }
0x69: {  	_ =	shalt  }
0x6a: {  	_ =	shalt  }
0x6b: {  	_ =	shalt  }
0x6c: {  	_ =	shalt  }
0x6d: {  	_ =	shalt  }
0x6e: {  	_ =	shalt  }
0x6f: {  	_ =	shalt  }
0x70: {  	_ =	shalt  }
0x71: {  	_ =	shalt  }
0x72: {  	_ =	shalt  }
0x73: {  	_ =	shalt  }
0x74: {  	_ =	shalt  }
0x75: {  	_ =	shalt  }
0x76: {  	_ =	shalt  }
0x77: {  	_ =	shalt  }
0x78: {  	_ =	shalt  }
0x79: {  	_ =	shalt  }
0x7a: {  	_ =	shalt  }
0x7b: {  	_ =	shalt  }
0x7c: {  	_ =	shalt  }
0x7d: {  	_ =	shalt  }
0x7e: {  	_ =	shalt  }
0x7f: {  	_ =	shalt  }
0x80: {  	_ =	shalt  }
0x81: {  	_ =	shalt  }
0x82: {  	_ =	shalt  }
0x83: {  	_ =	shalt  }
0x84: {  	_ =	shalt  }
0x85: {  	_ =	shalt  }
0x86: {  	_ =	shalt  }
0x87: {  	_ =	shalt  }
.Lfunc_end0:
.L_simem_size_0:
called_computation_lowered:
.L_overlay_start_0:
0x88: {  	s2 =	sld [smem:$0x3FD9]  }
0x89: {  	s3 =	sld [smem:$0x3FFE];
	_ =	sdelay $0x1  }
0x8a: {  	s1 =	srdreg.scid  }
0x8b: {  	s0 =	sand.u32 $0x1, s1  }
0x8c: {  	s18 =	sshll.u32 s0, $0xA;
	s2 =	sadd.s32 s3, s2  }
0x8d: {  	s2 =	sadd.s32 s2, s18  }
0x8e: {  	[smem:$0x3FC6] =	sst s2  }
0x8f: {  	_ = 	snop  }
0x90: {  	s2 =	sld [smem:$0x3FC9]  }
0x91: {  	s19 =	sld [smem:$0x3FC8]  }
0x92: {  	s4 =	sld [smem:$0x3FD0];
	(tm) =	ssettm $0x1  }
0x93: {  	s5 =	sld [smem:$0x3FFB];
	_ =	sdelay $0x3  }
0x94: {  	_ =	strace s5  }
0x95: {  	s5 =	sld [smem:$0x3FFC];
	_ =	sdelay $0x3  }
0x96: {  	_ =	strace s5  }
0x97: {  	s5 =	sld [smem:$0x3FFD];
	_ =	sdelay $0x3  }
0x98: {  	_ =	strace s5  }
0x99: {  	_ =	strace $0x8FFFFFFF  }
0x9a: {  	s20 =	sld [smem:$0x3FDB];
	_ =	sdelay $0x1  }
0x9b: {  	s6 =	simm.s32 $_scs_section_size  }
0x9c: {  	s7 =	simm.s32 $_size__tile_overlayer_lowered;
	s8 =	simm.s32 $_tile_overlayer_lowered  }
0x9d: {  	s23 =	simm.s32 $0x1BFF;
	s22 =	sshll.u32 s8, $0x1;
	s5 =	sadd.s32 s6, s20  }
0x9e: {  	s9 =	simm.s32 $0x0;
	s21 =	sshll.u32 s7, $0x1;
	s7 =	sadd.s32 s22, s5  }
0x9f: {  	[timem:s9], [sflag:s23] =	dma.local [hbm:s7], s21  }
0xa0: {  	_ =	swait.ge [sflag:s23], s21  }
0xa1: {  	s6 =	ssub.s32 $0x0, s21;
	[sflag:s23] =	ssyncset.done $0x0  }
0xa2: {  	[sflag:s23] =	ssyncadd.s32 s6;
	_ =	sdelay $0x1  }
0xa3: {  	s24 =	simm.s32 $0x1B8B  }
0xa4: {  	_ =	swait.ge [sflag:s24], $0x1  }
0xa5: {  	[sflag:s24] =	ssyncset.done $0x0  }
0xa6: {  	s25 =	simm.s32 $0x1B8E;
	[sflag:s24] =	ssyncadd.s32 $0xFFFFFFFF  }
0xa7: {  	s26 =	simm.s32 $execute0_lowered;
	[smem:$0x3FD2] =	sst s25  }
0xa8: {  	s6 =	sshll.u32 s26, $0x1;
	_ =	strace $0x80000046;
	[dreg:$0x1] =	wrdreg $0xFFFFFFFF  }
0xa9: {  	s28 =	simm.s32 $_size_execute0_lowered;
	s5 =	sadd.s32 s5, s6;
	[dreg:$0x0] =	wrdreg $0x0  }
0xaa: {  	s6 =	sshll.u32 s28, $0x1;
	[dreg:$0x2] =	wrdreg s5  }
0xab: {  	[dreg:$0x3] =	wrdreg s6  }
0xac: {  	[dreg:$0x4] =	wrdreg $0xC0  }
0xad: {  	_ =	task [dreg:s9], $0x5FFFF  }
0xae: {  	[dreg:$0x1] =	wrdreg $0xFFFFFFFF  }
0xaf: {  	[dreg:$0x0] =	wrdreg $0x60  }
0xb0: {  	[dreg:$0x2] =	wrdreg s2  }
0xb1: {  	[dreg:$0x3] =	wrdreg s19  }
0xb2: {  	[dreg:$0x4] =	wrdreg s4  }
0xb3: {  	[dreg:$0x5] =	wrdreg $0x88000  }
0xb4: {  	[dreg:$0x6] =	wrdreg $0x9  }
0xb5: {  	_ =	task.clear_ibuf [dreg:s9], $0x7FFFF;
	_ =	strace $0x90000046  }
0xb6: {  	s29 =	simm.s32 $0x9;
	_ =	strace $0x80000048  }
0xb7: {  	_ =	swait.ge [sflag:s29], $0x1  }
0xb8: {  	[sflag:s29] =	ssyncadd.s32 $0xFFFFFFFF  }
0xb9: {  	_ =	strace $0x90000048  }
0xba: {  	_ =	sfence  }
0xbb: {  	s30 =	sld [smem:$0x0];
	_ =	sdelay $0x2  }
0xbc: {  	s31 =	sshll.u32 s1, $0xD;
	s1 =	sshrl.u32 s1, $0x2  }
0xbd: {  	s3 =	sand.u32 $0x4000, s31;
	s1 =	sadd.s32 s1, s30  }
0xbe: {  	s0 =	sor.u32 s3, s0;
	s1 =	sshll.u32 s1, $0x11  }
0xbf: {  	s0 =	sor.u32 s1, s0  }
0xc0: {  	s0 =	sadd.s32 $0x8F2B, s0  }
0xc1: {  	[sflag:s0] =	ssyncadd.remote.s32 $0x1  }
0xc2: {  	_ =	sfence.sel $0xFFFF  }
0xc3: {  	[dreg:$0x0] =	wrdreg $0xFFFFFFFF;
	(pc) =	sbr.abs _section_cstart, $3  }
0xc4: {  	[dreg:$0x1] =	wrdreg $0xFFFFFFFF  }
0xc5: {  	_ =	task.clear_ibuf [dreg:s9], $0x2FFFF;
	_ =	strace $0x9FFFFFFF  }
0xc6: {  	(tm) =	ssettm $0x7FFFFFFF  }
0xc7: {  	_ =	shalt  }
tec
execute0_lowered:
.L_overlay_start_1:
0x0: {  	(tag) =	ssettag $0x1  }
0x1: {  	s1 =	rddreg [dreg:$0x0]  }
0x2: {  	s0 =	rddreg [dreg:$0x1]  }
0x3: {  	s3 =	rddreg [dreg:$0x2]  }
0x4: {  	s4 =	rddreg [dreg:$0x3];
	s2 =	simm.s32 $0x0;
	s5 =	srdreg.scid  }
0x5: {  	s11 =	stileid.u32;
	s14 =	simm.s32 $0x800;
	s12 =	simm.s32 $0x2000  }
0x6: {  	s13 =	simm.s32 $0x2800;
	s15 =	simm.s32 $0x3000;
	s16 =	simm.s32 $0x3800  }
0x7: {  	s28 =	simm.s32 $0x7000;
	s29 =	simm.s32 $0x7800;
	s31 =	simm.s32 $0x1  }
0x8: {  	s30 =	simm.s32 $0x7000;
	[smem:$0x7FF] =	sst s2;
	s7 =	sand.u32 $0x1, s5  }
0x9: {  	s9 =	sshll.u32 s11, $0xB;
	s11 =	sshll.u32 s11, $0x11;
	_ =	strace $0x80000047  }
0xa: {  	s5 =	ssub.s32 $0x2, s7;
	s8 =	sshll.u32 s7, $0xF;
	s17 =	sand.u32 $0x800, s9  }
0xb: {  	s18 =	sshrl.u32 s11, $0x2;
	s20 =	sshll.u32 s7, $0x15;
	s6 =	sshrl.u32 s5, $0x1  }
0xc: {  	s8 =	sor.u32 s9, s8;
	s22 =	sadd.s32 s20, s3;
	s20 =	simm.s32 $0x2800  }
0xd: {  	s10 =	ssub.s32 s5, s6;
	s9 =	ssub.s32 s8, s17;
	s5 =	sshrl.u32 s17, $0x3  }
0xe: {  	s6 =	sadd.s32 s18, s4;
	s19 =	sshll.u32 s8, $0x6;
	s17 =	simm.s32 $0x1000  }
0xf: {  	s18 =	simm.s32 $0x1800;
	s4 =	simm.s32 $0x4;
	s0 =	sadd.s32 s0, s5  }
0x10: {  	s5 =	sadd.s32 $0x100, s1;
	s21 =	sadd.s32 s3, s19;
	s8 =	sadd.s32 $0x4000, s6  }
0x11: {  	s26 =	smax.u32 s10, $0x1;
	s19 =	simm.s32 $0x4000;
	[dreg:$0x6] =	wrdreg s0  }
0x12: {  	v0 =	vmov s9;
	s3 =	simm.s32 $0x2;
	s9 =	simm.s32 $0x5;
	[dreg:$0x7] =	wrdreg s21  }
0x13: {  	s10 =	simm.s32 $0x6;
	s23 =	sadd.s32 $0x800, s21;
	[dreg:$0xb] =	wrdreg s26  }
0x14: {  	s24 =	sadd.s32 $0x1F000, s21;
	s0 =	sadd.s32 s11, s22;
	[dreg:$0x8] =	wrdreg s23  }
0x15: {  	s25 =	sadd.s32 $0x1F800, s21;
	s22 =	simm.s32 $0x4800;
	[dreg:$0x9] =	wrdreg s24  }
0x16: {  	v3 =	vlaneseq.u32;
	s21 =	simm.s32 $0x5000;
	s26 =	simm.s32 $0x6800;
	[dreg:$0xa] =	wrdreg s25  }
0x17: {  	vm0 =	vmmov $0xffff;
	v2 =	vshrl.u32 v3, $0x3;
	s11 =	simm.s32 $0x0;
	[dreg:$0x5] =	wrdreg s0;
	s23 =	simm.s32 $0x5800  }
0x18: {  	v1 =	vand.u32 $0x7, v3;
	v3 =	vor.u32 $0x8, v3;
	v2 =	vmul.u32 $0x8, v2;
	s25 =	simm.s32 $0x6000;
	s24 =	simm.s32 $0x8000;
	s0 =	simm.s32 $0x3  }
.LBB2_1:
0x19: {  	[dreg:$0xc] =	wrdreg s11  }
0x1a: {  	s7 =	rddreg [dreg:$0x6];
	s11 =	simm.s32 $0x7  }
0x1b: {  	[tilespmem:s2], [sflag:$0x7] =	stream.linear.gather [hbm4b:s7+s2], $0x800, $0x38;
	[tilespmem:$0x10800] =	vst v63  }
0x1c: {  	_ =	swait.ge [sflag:s11], $0x800  }
0x1d: {  	[sflag:s11] =	ssyncset.done $0x0  }
0x1e: {  	s7 =	simm.s32 $0x0;
	[sflag:s11] =	ssyncadd.s32 $0xFFFFF800;
	s11 =	simm.s32 $0x40  }
.LBB2_2:
0x1f: {  	p0 =	sne.s32 s11, $0x1FC0;
	v4 =	vld [tilespmem:s7+$0x0];
	_ =	sdelay $0x1  }
.Ltmp0:
0x20: {  	(pc) =	sbr.rel @p0 .LBB2_2-.Ltmp0, $3  }
0x21: {  	_ =	sdelay $0x1  }
0x22: {  	v4 =	vadd.s32 v0, v4  }
0x23: {  	[tilespmem:s7+$0x0] =	vst v4;
	s7 =	sshra.s32 s11, $0x2;
	s11 =	sadd.s32 $0x40, s11  }
0x24: {  	v4 =	vld [tilespmem:s7+$0x0];
	_ =	sdelay $0x4  }
0x25: {  	v4 =	vadd.s32 v0, v4  }
0x26: {  	[tilespmem:s7+$0x0] =	vst v4  }
0x27: {  	v4 =	vld [tilespmem:$0x0];
	_ =	sdelay $0x4  }
0x28: {  	v5 =	vshll.u32 v4, $0x2  }
0x29: {  	v4 =	vand.u32 $0x7, v4;
	v5 =	vand.u32 $0xFFFFFFE0, v5  }
0x2a: {  	v4 =	vor.u32 v4, v5  }
0x2b: {  	v5 =	vperm.xlane v4, v1;
	_ =	sdelay $0x1  }
0x2c: {  	v5 =	vadd.s32 v2, v5;
	_ =	sdelay $0x1  }
0x2d: {  	v4 =	vperm.xlane v4, v3;
	_ =	sdelay $0x1  }
0x2e: {  	v4 =	vadd.s32 v2, v4  }
0x2f: {  	[tilespmem:s14], [sflag:$0x1] =	stream.indirect_vreg.gather [hbm4b:s1+s2], $0x80, v5, vm0, $0xb8;
	[tilespmem:$0x10800] =	vst v63  }
0x30: {  	_ = 	snop  }
0x31: {  	[tilespmem:s17], [sflag:$0x1] =	stream.indirect_vreg.gather [hbm4b:s5+s2], $0x80, v5, vm0, $0xb8;
	[tilespmem:$0x10800] =	vst v63  }
0x32: {  	_ = 	snop  }
0x33: {  	[tilespmem:s18], [sflag:$0x1] =	stream.indirect_vreg.gather [hbm4b:s1+s2], $0x80, v4, vm0, $0xb8;
	[tilespmem:$0x10800] =	vst v63  }
0x34: {  	_ = 	snop  }
0x35: {  	[tilespmem:s12], [sflag:$0x1] =	stream.indirect_vreg.gather [hbm4b:s5+s2], $0x80, v4, vm0, $0xb8;
	[tilespmem:$0x10800] =	vst v63  }
0x36: {  	v4 =	vld [tilespmem:$0x10];
	_ =	sdelay $0x4  }
0x37: {  	v5 =	vshll.u32 v4, $0x2  }
0x38: {  	v4 =	vand.u32 $0x7, v4;
	v5 =	vand.u32 $0xFFFFFFE0, v5  }
0x39: {  	v4 =	vor.u32 v4, v5  }
0x3a: {  	v5 =	vperm.xlane v4, v1;
	_ =	sdelay $0x1  }
0x3b: {  	v5 =	vadd.s32 v2, v5;
	_ =	sdelay $0x1  }
0x3c: {  	v4 =	vperm.xlane v4, v3;
	_ =	sdelay $0x1  }
0x3d: {  	v4 =	vadd.s32 v2, v4  }
0x3e: {  	[tilespmem:s13], [sflag:$0x1] =	stream.indirect_vreg.gather [hbm4b:s1+s2], $0x80, v5, vm0, $0xb8;
	[tilespmem:$0x10800] =	vst v63  }
0x3f: {  	_ = 	snop  }
0x40: {  	[tilespmem:s15], [sflag:$0x1] =	stream.indirect_vreg.gather [hbm4b:s5+s2], $0x80, v5, vm0, $0xb8;
	[tilespmem:$0x10800] =	vst v63  }
0x41: {  	_ = 	snop  }
0x42: {  	[tilespmem:s16], [sflag:$0x1] =	stream.indirect_vreg.gather [hbm4b:s1+s2], $0x80, v4, vm0, $0xb8;
	[tilespmem:$0x10800] =	vst v63  }
0x43: {  	_ = 	snop  }
0x44: {  	[tilespmem:s19], [sflag:$0x1] =	stream.indirect_vreg.gather [hbm4b:s5+s2], $0x80, v4, vm0, $0xb8;
	[tilespmem:$0x10800] =	vst v63  }
0x45: {  	v4 =	vld [tilespmem:$0x20];
	_ =	sdelay $0x4  }
0x46: {  	v5 =	vshll.u32 v4, $0x2  }
0x47: {  	v4 =	vand.u32 $0x7, v4;
	v5 =	vand.u32 $0xFFFFFFE0, v5  }
0x48: {  	v4 =	vor.u32 v4, v5  }
0x49: {  	v5 =	vperm.xlane v4, v1;
	_ =	sdelay $0x1  }
0x4a: {  	v5 =	vadd.s32 v2, v5;
	_ =	sdelay $0x1  }
0x4b: {  	v4 =	vperm.xlane v4, v3;
	_ =	sdelay $0x1  }
0x4c: {  	v4 =	vadd.s32 v2, v4  }
0x4d: {  	[tilespmem:s22], [sflag:$0x2] =	stream.indirect_vreg.gather [hbm4b:s1+s2], $0x80, v5, vm0, $0xb8;
	[tilespmem:$0x10800] =	vst v63  }
0x4e: {  	_ = 	snop  }
0x4f: {  	[tilespmem:s21], [sflag:$0x2] =	stream.indirect_vreg.gather [hbm4b:s5+s2], $0x80, v5, vm0, $0xb8;
	[tilespmem:$0x10800] =	vst v63  }
0x50: {  	_ = 	snop  }
0x51: {  	[tilespmem:s23], [sflag:$0x2] =	stream.indirect_vreg.gather [hbm4b:s1+s2], $0x80, v4, vm0, $0xb8;
	[tilespmem:$0x10800] =	vst v63  }
0x52: {  	_ = 	snop  }
0x53: {  	[tilespmem:s25], [sflag:$0x2] =	stream.indirect_vreg.gather [hbm4b:s5+s2], $0x80, v4, vm0, $0xb8;
	[tilespmem:$0x10800] =	vst v63  }
0x54: {  	v4 =	vld [tilespmem:$0x30];
	_ =	sdelay $0x4  }
0x55: {  	v5 =	vshll.u32 v4, $0x2  }
0x56: {  	v4 =	vand.u32 $0x7, v4;
	v5 =	vand.u32 $0xFFFFFFE0, v5  }
0x57: {  	v4 =	vor.u32 v4, v5  }
0x58: {  	v5 =	vperm.xlane v4, v1;
	_ =	sdelay $0x1  }
0x59: {  	v5 =	vadd.s32 v2, v5;
	_ =	sdelay $0x1  }
0x5a: {  	v4 =	vperm.xlane v4, v3;
	_ =	sdelay $0x1  }
0x5b: {  	v4 =	vadd.s32 v2, v4  }
0x5c: {  	[tilespmem:s26], [sflag:$0x2] =	stream.indirect_vreg.gather [hbm4b:s1+s2], $0x80, v5, vm0, $0xb8;
	[tilespmem:$0x10800] =	vst v63  }
0x5d: {  	_ = 	snop  }
0x5e: {  	[tilespmem:s28], [sflag:$0x2] =	stream.indirect_vreg.gather [hbm4b:s5+s2], $0x80, v5, vm0, $0xb8;
	[tilespmem:$0x10800] =	vst v63  }
0x5f: {  	_ = 	snop  }
0x60: {  	[tilespmem:s29], [sflag:$0x2] =	stream.indirect_vreg.gather [hbm4b:s1+s2], $0x80, v4, vm0, $0xb8;
	[tilespmem:$0x10800] =	vst v63  }
0x61: {  	_ = 	snop  }
0x62: {  	[tilespmem:s24], [sflag:$0x2] =	stream.indirect_vreg.gather [hbm4b:s5+s2], $0x80, v4, vm0, $0xb8;
	[tilespmem:$0x10800] =	vst v63  }
0x63: {  	_ =	swait.ge [sflag:s31], $0x4000  }
0x64: {  	[sflag:s31] =	ssyncset.done $0x0  }
0x65: {  	[sflag:s31] =	ssyncadd.s32 $0xFFFFC000  }
0x66: {  	[spmem:s6] =	stream.linear.scatter [tilespmem:s14], [sflag:$0x3], $0x4000, $0x38;
	[tilespmem:$0x10800] =	vst v63  }
0x67: {  	_ =	swait.ge [sflag:s0], $0x4000  }
0x68: {  	[sflag:s0] =	ssyncset.done $0x0  }
0x69: {  	[sflag:s0] =	ssyncadd.s32 $0xFFFFC000  }
0x6a: {  	v4 =	vld [tilespmem:$0x40];
	_ =	sdelay $0x4  }
0x6b: {  	v5 =	vshll.u32 v4, $0x2  }
0x6c: {  	v4 =	vand.u32 $0x7, v4;
	v5 =	vand.u32 $0xFFFFFFE0, v5  }
0x6d: {  	v4 =	vor.u32 v4, v5  }
0x6e: {  	v5 =	vperm.xlane v4, v1;
	_ =	sdelay $0x1  }
0x6f: {  	v5 =	vadd.s32 v2, v5;
	_ =	sdelay $0x1  }
0x70: {  	v4 =	vperm.xlane v4, v3;
	_ =	sdelay $0x1  }
0x71: {  	v4 =	vadd.s32 v2, v4  }
0x72: {  	[tilespmem:s14], [sflag:$0x1] =	stream.indirect_vreg.gather [hbm4b:s1+s2], $0x80, v5, vm0, $0xb8;
	[tilespmem:$0x10800] =	vst v63  }
0x73: {  	_ = 	snop  }
0x74: {  	[tilespmem:s17], [sflag:$0x1] =	stream.indirect_vreg.gather [hbm4b:s5+s2], $0x80, v5, vm0, $0xb8;
	[tilespmem:$0x10800] =	vst v63  }
0x75: {  	_ = 	snop  }
0x76: {  	[tilespmem:s18], [sflag:$0x1] =	stream.indirect_vreg.gather [hbm4b:s1+s2], $0x80, v4, vm0, $0xb8;
	[tilespmem:$0x10800] =	vst v63  }
0x77: {  	_ = 	snop  }
0x78: {  	[tilespmem:s12], [sflag:$0x1] =	stream.indirect_vreg.gather [hbm4b:s5+s2], $0x80, v4, vm0, $0xb8;
	[tilespmem:$0x10800] =	vst v63  }
0x79: {  	v4 =	vld [tilespmem:$0x50];
	_ =	sdelay $0x4  }
0x7a: {  	v5 =	vshll.u32 v4, $0x2  }
0x7b: {  	v4 =	vand.u32 $0x7, v4;
	v5 =	vand.u32 $0xFFFFFFE0, v5  }
0x7c: {  	v4 =	vor.u32 v4, v5  }
0x7d: {  	v5 =	vperm.xlane v4, v1;
	_ =	sdelay $0x1  }
0x7e: {  	v5 =	vadd.s32 v2, v5;
	_ =	sdelay $0x1  }
0x7f: {  	v4 =	vperm.xlane v4, v3;
	_ =	sdelay $0x1  }
0x80: {  	v4 =	vadd.s32 v2, v4  }
0x81: {  	[tilespmem:s13], [sflag:$0x1] =	stream.indirect_vreg.gather [hbm4b:s1+s2], $0x80, v5, vm0, $0xb8;
	[tilespmem:$0x10800] =	vst v63  }
0x82: {  	_ = 	snop  }
0x83: {  	[tilespmem:s15], [sflag:$0x1] =	stream.indirect_vreg.gather [hbm4b:s5+s2], $0x80, v5, vm0, $0xb8;
	[tilespmem:$0x10800] =	vst v63  }
0x84: {  	_ = 	snop  }
0x85: {  	[tilespmem:s16], [sflag:$0x1] =	stream.indirect_vreg.gather [hbm4b:s1+s2], $0x80, v4, vm0, $0xb8;
	[tilespmem:$0x10800] =	vst v63  }
0x86: {  	s16 =	stileid.u32  }
0x87: {  	s11 =	sshll.u32 s16, $0x6  }
0x88: {  	[tilespmem:s19], [sflag:$0x1] =	stream.indirect_vreg.gather [hbm4b:s5+s2], $0x80, v4, vm0, $0xb8;
	[tilespmem:$0x10800] =	vst v63  }
0x89: {  	s7 =	sshrl.u32 s6, $0x3;
	s12 =	sor.u32 $0x1C05, s11;
	s19 =	rddreg [dreg:$0x7]  }
0x8a: {  	[hbm:s19], [sflag:s12] =	dma.local [spmem:s7], $0x800  }
0x8b: {  	_ =	swait.ge [sflag:s3], $0x4000  }
0x8c: {  	[sflag:s3] =	ssyncset.done $0x0  }
0x8d: {  	[sflag:s3] =	ssyncadd.s32 $0xFFFFC000  }
0x8e: {  	[spmem:s8] =	stream.linear.scatter [tilespmem:s22], [sflag:$0x4], $0x4000, $0x38;
	[tilespmem:$0x10800] =	vst v63  }
0x8f: {  	_ =	swait.ge [sflag:s4], $0x4000  }
0x90: {  	[sflag:s4] =	ssyncset.done $0x0  }
0x91: {  	[sflag:s4] =	ssyncadd.s32 $0xFFFFC000  }
0x92: {  	v4 =	vld [tilespmem:$0x60];
	_ =	sdelay $0x4  }
0x93: {  	v5 =	vshll.u32 v4, $0x2  }
0x94: {  	v4 =	vand.u32 $0x7, v4;
	v5 =	vand.u32 $0xFFFFFFE0, v5  }
0x95: {  	v4 =	vor.u32 v4, v5  }
0x96: {  	v5 =	vperm.xlane v4, v1;
	_ =	sdelay $0x1  }
0x97: {  	v5 =	vadd.s32 v2, v5;
	_ =	sdelay $0x1  }
0x98: {  	v4 =	vperm.xlane v4, v3;
	_ =	sdelay $0x1  }
0x99: {  	v4 =	vadd.s32 v2, v4  }
0x9a: {  	[tilespmem:s22], [sflag:$0x2] =	stream.indirect_vreg.gather [hbm4b:s1+s2], $0x80, v5, vm0, $0xb8;
	[tilespmem:$0x10800] =	vst v63  }
0x9b: {  	_ = 	snop  }
0x9c: {  	[tilespmem:s21], [sflag:$0x2] =	stream.indirect_vreg.gather [hbm4b:s5+s2], $0x80, v5, vm0, $0xb8;
	[tilespmem:$0x10800] =	vst v63  }
0x9d: {  	_ = 	snop  }
0x9e: {  	[tilespmem:s23], [sflag:$0x2] =	stream.indirect_vreg.gather [hbm4b:s1+s2], $0x80, v4, vm0, $0xb8;
	[tilespmem:$0x10800] =	vst v63  }
0x9f: {  	_ = 	snop  }
0xa0: {  	[tilespmem:s25], [sflag:$0x2] =	stream.indirect_vreg.gather [hbm4b:s5+s2], $0x80, v4, vm0, $0xb8;
	[tilespmem:$0x10800] =	vst v63  }
0xa1: {  	v4 =	vld [tilespmem:$0x70];
	_ =	sdelay $0x4  }
0xa2: {  	v5 =	vshll.u32 v4, $0x2  }
0xa3: {  	v4 =	vand.u32 $0x7, v4;
	v5 =	vand.u32 $0xFFFFFFE0, v5  }
0xa4: {  	v4 =	vor.u32 v4, v5  }
0xa5: {  	v5 =	vperm.xlane v4, v1;
	_ =	sdelay $0x1  }
0xa6: {  	v5 =	vadd.s32 v2, v5;
	_ =	sdelay $0x1  }
0xa7: {  	v4 =	vperm.xlane v4, v3  }
0xa8: {  	s14 =	simm.s32 $0x7800  }
0xa9: {  	s15 =	simm.s32 $0xFFFE2000;
	s16 =	simm.s32 $0xB0;
	s13 =	sor.u32 $0x1C06, s11;
	v4 =	vadd.s32 v2, v4  }
0xaa: {  	[tilespmem:s26], [sflag:$0x2] =	stream.indirect_vreg.gather [hbm4b:s1+s2], $0x80, v5, vm0, $0xb8;
	[tilespmem:$0x10800] =	vst v63  }
0xab: {  	s11 =	sshrl.u32 s8, $0x3;
	s19 =	simm.s32 $0x8000;
	s22 =	smov.u32 s8  }
0xac: {  	[tilespmem:s28], [sflag:$0x2] =	stream.indirect_vreg.gather [hbm4b:s5+s2], $0x80, v5, vm0, $0xb8;
	[tilespmem:$0x10800] =	vst v63  }
0xad: {  	s8 =	simm.s32 $0x800;
	s21 =	simm.s32 $0x3000;
	s23 =	simm.s32 $0x3800  }
0xae: {  	[tilespmem:s29], [sflag:$0x2] =	stream.indirect_vreg.gather [hbm4b:s1+s2], $0x80, v4, vm0, $0xb8;
	[tilespmem:$0x10800] =	vst v63  }
0xaf: {  	s25 =	simm.s32 $0x5000;
	s26 =	rddreg [dreg:$0x8];
	s28 =	simm.s32 $0x6000  }
0xb0: {  	[tilespmem:s24], [sflag:$0x2] =	stream.indirect_vreg.gather [hbm4b:s5+s2], $0x80, v4, vm0, $0xb8;
	[tilespmem:$0x10800] =	vst v63  }
0xb1: {  	[hbm:s26], [sflag:s13] =	dma.local [spmem:s11], $0x800  }
0xb2: {  	s29 =	simm.s32 $0x6800;
	s24 =	simm.s32 $0x4800;
	s26 =	simm.s32 $0x5800  }
.LBB2_4:
0xb3: {  	_ =	swait.ge [sflag:s31], $0x4000  }
0xb4: {  	[sflag:s31] =	ssyncset.done $0x0  }
0xb5: {  	[sflag:s31] =	ssyncadd.s32 $0xFFFFC000  }
0xb6: {  	_ =	swait.ge [sflag:s9], $0x800  }
0xb7: {  	[sflag:s9] =	ssyncset.done $0x0  }
0xb8: {  	[sflag:s9] =	ssyncadd.s32 $0xFFFFF800  }
0xb9: {  	[spmem:s6] =	stream.linear.scatter [tilespmem:s8], [sflag:$0x3], $0x4000, $0x38;
	[tilespmem:$0x10800] =	vst v63  }
0xba: {  	_ =	swait.ge [sflag:s0], $0x4000  }
0xbb: {  	[sflag:s0] =	ssyncset.done $0x0  }
0xbc: {  	[sflag:s0] =	ssyncadd.s32 $0xFFFFC000  }
0xbd: {  	v4 =	vld [tilespmem:s16+$0xFFFFFFD0];
	_ =	sdelay $0x4  }
0xbe: {  	v5 =	vshll.u32 v4, $0x2  }
0xbf: {  	v4 =	vand.u32 $0x7, v4;
	v5 =	vand.u32 $0xFFFFFFE0, v5  }
0xc0: {  	v4 =	vor.u32 v4, v5  }
0xc1: {  	v5 =	vperm.xlane v4, v1;
	_ =	sdelay $0x1  }
0xc2: {  	v5 =	vadd.s32 v2, v5;
	_ =	sdelay $0x1  }
0xc3: {  	v4 =	vperm.xlane v4, v3;
	_ =	sdelay $0x1  }
0xc4: {  	v4 =	vadd.s32 v2, v4  }
0xc5: {  	[tilespmem:s8], [sflag:$0x1] =	stream.indirect_vreg.gather [hbm4b:s1+s2], $0x80, v5, vm0, $0xb8;
	[tilespmem:$0x10800] =	vst v63  }
0xc6: {  	_ = 	snop  }
0xc7: {  	[tilespmem:s17], [sflag:$0x1] =	stream.indirect_vreg.gather [hbm4b:s5+s2], $0x80, v5, vm0, $0xb8;
	[tilespmem:$0x10800] =	vst v63  }
0xc8: {  	_ = 	snop  }
0xc9: {  	[tilespmem:s18], [sflag:$0x1] =	stream.indirect_vreg.gather [hbm4b:s1+s2], $0x80, v4, vm0, $0xb8;
	[tilespmem:$0x10800] =	vst v63  }
0xca: {  	s18 =	simm.s32 $0x2000  }
0xcb: {  	[tilespmem:s18], [sflag:$0x1] =	stream.indirect_vreg.gather [hbm4b:s5+s2], $0x80, v4, vm0, $0xb8;
	[tilespmem:$0x10800] =	vst v63  }
0xcc: {  	v4 =	vld [tilespmem:s16+$0xFFFFFFE0];
	_ =	sdelay $0x4  }
0xcd: {  	v5 =	vshll.u32 v4, $0x2  }
0xce: {  	v4 =	vand.u32 $0x7, v4;
	v5 =	vand.u32 $0xFFFFFFE0, v5  }
0xcf: {  	v4 =	vor.u32 v4, v5  }
0xd0: {  	v5 =	vperm.xlane v4, v1;
	_ =	sdelay $0x1  }
0xd1: {  	v5 =	vadd.s32 v2, v5;
	_ =	sdelay $0x1  }
0xd2: {  	v4 =	vperm.xlane v4, v3;
	_ =	sdelay $0x1  }
0xd3: {  	v4 =	vadd.s32 v2, v4  }
0xd4: {  	[tilespmem:s20], [sflag:$0x1] =	stream.indirect_vreg.gather [hbm4b:s1+s2], $0x80, v5, vm0, $0xb8;
	[tilespmem:$0x10800] =	vst v63  }
0xd5: {  	_ = 	snop  }
0xd6: {  	[tilespmem:s21], [sflag:$0x1] =	stream.indirect_vreg.gather [hbm4b:s5+s2], $0x80, v5, vm0, $0xb8;
	[tilespmem:$0x10800] =	vst v63  }
0xd7: {  	s17 =	rddreg [dreg:$0x5]  }
0xd8: {  	[tilespmem:s23], [sflag:$0x1] =	stream.indirect_vreg.gather [hbm4b:s1+s2], $0x80, v4, vm0, $0xb8;
	[tilespmem:$0x10800] =	vst v63  }
0xd9: {  	s17 =	sadd.s32 s15, s17;
	s18 =	simm.s32 $0x4000  }
0xda: {  	[tilespmem:s18], [sflag:$0x1] =	stream.indirect_vreg.gather [hbm4b:s5+s2], $0x80, v4, vm0, $0xb8;
	[tilespmem:$0x10800] =	vst v63  }
0xdb: {  	s18 =	sadd.s32 $0x1F000, s17  }
0xdc: {  	[hbm:s18], [sflag:s12] =	dma.local [spmem:s7], $0x800  }
0xdd: {  	_ =	swait.ge [sflag:s3], $0x4000  }
0xde: {  	[sflag:s3] =	ssyncset.done $0x0  }
0xdf: {  	[sflag:s3] =	ssyncadd.s32 $0xFFFFC000  }
0xe0: {  	_ =	swait.ge [sflag:s10], $0x800  }
0xe1: {  	[sflag:s10] =	ssyncset.done $0x0  }
0xe2: {  	[sflag:s10] =	ssyncadd.s32 $0xFFFFF800  }
0xe3: {  	[spmem:s22] =	stream.linear.scatter [tilespmem:s24], [sflag:$0x4], $0x4000, $0x38;
	[tilespmem:$0x10800] =	vst v63  }
0xe4: {  	_ =	swait.ge [sflag:s4], $0x4000  }
0xe5: {  	[sflag:s4] =	ssyncset.done $0x0  }
0xe6: {  	[sflag:s4] =	ssyncadd.s32 $0xFFFFC000  }
0xe7: {  	v4 =	vld [tilespmem:s16+$0xFFFFFFF0];
	_ =	sdelay $0x4  }
0xe8: {  	v5 =	vshll.u32 v4, $0x2  }
0xe9: {  	v4 =	vand.u32 $0x7, v4;
	v5 =	vand.u32 $0xFFFFFFE0, v5  }
0xea: {  	v4 =	vor.u32 v4, v5  }
0xeb: {  	v5 =	vperm.xlane v4, v1;
	_ =	sdelay $0x1  }
0xec: {  	v5 =	vadd.s32 v2, v5;
	_ =	sdelay $0x1  }
0xed: {  	v4 =	vperm.xlane v4, v3;
	_ =	sdelay $0x1  }
0xee: {  	v4 =	vadd.s32 v2, v4  }
0xef: {  	[tilespmem:s24], [sflag:$0x2] =	stream.indirect_vreg.gather [hbm4b:s1+s2], $0x80, v5, vm0, $0xb8;
	[tilespmem:$0x10800] =	vst v63  }
0xf0: {  	_ = 	snop  }
0xf1: {  	[tilespmem:s25], [sflag:$0x2] =	stream.indirect_vreg.gather [hbm4b:s5+s2], $0x80, v5, vm0, $0xb8;
	[tilespmem:$0x10800] =	vst v63  }
0xf2: {  	_ = 	snop  }
0xf3: {  	[tilespmem:s26], [sflag:$0x2] =	stream.indirect_vreg.gather [hbm4b:s1+s2], $0x80, v4, vm0, $0xb8;
	[tilespmem:$0x10800] =	vst v63  }
0xf4: {  	_ = 	snop  }
0xf5: {  	[tilespmem:s28], [sflag:$0x2] =	stream.indirect_vreg.gather [hbm4b:s5+s2], $0x80, v4, vm0, $0xb8;
	[tilespmem:$0x10800] =	vst v63  }
0xf6: {  	v4 =	vld [tilespmem:s16+$0x0];
	_ =	sdelay $0x4  }
0xf7: {  	v5 =	vshll.u32 v4, $0x2  }
0xf8: {  	v4 =	vand.u32 $0x7, v4;
	v5 =	vand.u32 $0xFFFFFFE0, v5  }
0xf9: {  	v4 =	vor.u32 v4, v5  }
0xfa: {  	v5 =	vperm.xlane v4, v1;
	_ =	sdelay $0x1  }
0xfb: {  	v5 =	vadd.s32 v2, v5;
	_ =	sdelay $0x1  }
0xfc: {  	v4 =	vperm.xlane v4, v3;
	_ =	sdelay $0x1  }
0xfd: {  	v4 =	vadd.s32 v2, v4  }
0xfe: {  	[tilespmem:s29], [sflag:$0x2] =	stream.indirect_vreg.gather [hbm4b:s1+s2], $0x80, v5, vm0, $0xb8;
	[tilespmem:$0x10800] =	vst v63  }
0xff: {  	_ = 	snop  }
0x100: {  	[tilespmem:s30], [sflag:$0x2] =	stream.indirect_vreg.gather [hbm4b:s5+s2], $0x80, v5, vm0, $0xb8;
	[tilespmem:$0x10800] =	vst v63  }
0x101: {  	p0 =	sne.s32 s15, $0xFFFFF000  }
0x102: {  	[tilespmem:s14], [sflag:$0x2] =	stream.indirect_vreg.gather [hbm4b:s1+s2], $0x80, v4, vm0, $0xb8;
	[tilespmem:$0x10800] =	vst v63  }
.Ltmp1:
0x103: {  	_ = 	snop;
	(pc) =	sbr.rel @p0 .LBB2_4-.Ltmp1, $4  }
0x104: {  	s15 =	sadd.s32 $0x1000, s15;
	s17 =	sadd.s32 $0x1F800, s17  }
0x105: {  	[tilespmem:s19], [sflag:$0x2] =	stream.indirect_vreg.gather [hbm4b:s5+s2], $0x80, v4, vm0, $0xb8;
	[tilespmem:$0x10800] =	vst v63  }
0x106: {  	[hbm:s17], [sflag:s13] =	dma.local [spmem:s11], $0x800  }
0x107: {  	s18 =	simm.s32 $0x1800;
	s16 =	sadd.s32 $0x40, s16;
	s17 =	simm.s32 $0x1000  }
0x108: {  	_ =	swait.ge [sflag:s31], $0x4000  }
0x109: {  	[sflag:s31] =	ssyncset.done $0x0  }
0x10a: {  	[sflag:s31] =	ssyncadd.s32 $0xFFFFC000  }
0x10b: {  	_ =	swait.ge [sflag:s9], $0x800  }
0x10c: {  	[sflag:s9] =	ssyncset.done $0x0  }
0x10d: {  	[sflag:s9] =	ssyncadd.s32 $0xFFFFF800  }
0x10e: {  	[spmem:s6] =	stream.linear.scatter [tilespmem:s8], [sflag:$0x3], $0x4000, $0x38;
	[tilespmem:$0x10800] =	vst v63  }
0x10f: {  	_ =	swait.ge [sflag:s0], $0x4000  }
0x110: {  	[sflag:s0] =	ssyncset.done $0x0  }
0x111: {  	s15 =	rddreg [dreg:$0x9];
	[sflag:s0] =	ssyncadd.s32 $0xFFFFC000  }
0x112: {  	[hbm:s15], [sflag:s12] =	dma.local [spmem:s7], $0x800  }
0x113: {  	_ =	swait.ge [sflag:s3], $0x4000  }
0x114: {  	[sflag:s3] =	ssyncset.done $0x0  }
0x115: {  	[sflag:s3] =	ssyncadd.s32 $0xFFFFC000  }
0x116: {  	_ =	swait.ge [sflag:s10], $0x800  }
0x117: {  	[sflag:s10] =	ssyncset.done $0x0  }
0x118: {  	[sflag:s10] =	ssyncadd.s32 $0xFFFFF800  }
0x119: {  	[spmem:s22] =	stream.linear.scatter [tilespmem:s24], [sflag:$0x4], $0x4000, $0x38;
	[tilespmem:$0x10800] =	vst v63  }
0x11a: {  	_ =	swait.ge [sflag:s4], $0x4000  }
0x11b: {  	[sflag:s4] =	ssyncset.done $0x0  }
0x11c: {  	s24 =	rddreg [dreg:$0xa];
	[sflag:s4] =	ssyncadd.s32 $0xFFFFC000  }
0x11d: {  	[hbm:s24], [sflag:s13] =	dma.local [spmem:s11], $0x800  }
0x11e: {  	_ =	swait.ge [sflag:s9], $0x800  }
0x11f: {  	[sflag:s9] =	ssyncset.done $0x0  }
0x120: {  	[sflag:s9] =	ssyncadd.s32 $0xFFFFF800  }
0x121: {  	_ =	swait.ge [sflag:s10], $0x800  }
0x122: {  	s25 =	rddreg [dreg:$0xc]  }
0x123: {  	s16 =	simm.s32 $0x3800;
	s26 =	rddreg [dreg:$0xb];
	s11 =	sadd.s32 $0x1, s25  }
0x124: {  	s19 =	simm.s32 $0x4000;
	s21 =	simm.s32 $0x5000;
	p0 =	sne.s32 s11, s26  }
.Ltmp2:
0x125: {  	s23 =	simm.s32 $0x5800;
	s28 =	simm.s32 $0x7000;
	(pc) =	sbr.rel @p0 .LBB2_1-.Ltmp2, $4  }
0x126: {  	s29 =	simm.s32 $0x7800;
	s14 =	simm.s32 $0x800;
	s8 =	smov.u32 s22  }
0x127: {  	s12 =	simm.s32 $0x2000;
	s15 =	simm.s32 $0x3000;
	s22 =	simm.s32 $0x4800  }
0x128: {  	s13 =	simm.s32 $0x2800;
	s24 =	simm.s32 $0x8000;
	[sflag:s10] =	ssyncset.done $0x0  }
0x129: {  	[sflag:s10] =	ssyncadd.s32 $0xFFFFF800;
	s25 =	simm.s32 $0x6000;
	s26 =	simm.s32 $0x6800  }
0x12a: {  	_ =	sfence.sel $0x180000  }
0x12b: {  	[bflag:$0x0] =	sbarrier.arrive $0xFFFF  }
0x12c: {  	_ =	strace $0x90000047  }
0x12d: {  	s0 =	stileid.u32;
	[bflag:$0x2] =	sbarrier.arrive $0xFFFF  }
0x12e: {  	p0 =	sne.s32 s0, $0x0;
	s0 =	rddreg [dreg:$0x4]  }
0x12f: {  	s0 =	sadd.s32 @!p0 $0x100000, s0  }
0x130: {  	[sflag:s0] =	ssyncadd.tile.s32 @!p0 $0x1;
	_ =	shalt  }
.Lfunc_end2:
_tile_overlayer_lowered:
.L_overlay_start_2:
0x131: {  	(tag) =	ssettag $0x2  }
0x132: {  	s0 =	rddreg [dreg:$0x0];
	s2 =	stileid.u32  }
0x133: {  	s1 =	rddreg [dreg:$0x1];
	p0 =	sne.s32 s2, $0x0  }
0x134: {  	s3 =	rddreg [dreg:$0x2];
	[bflag:$0x3] =	sbarrier.arrive $0xFFFF;
	s2 =	simm.s32 @!p0 $0x1C07  }
0x135: {  	[timem:s3], [sflag:s2] =	dma.local @!p0 [hbm:s0], s1  }
0x136: {  	s0 =	simm.s32 @!p0 $0x7  }
0x137: {  	_ =	swait.ge @!p0 [sflag:s0], s1  }
0x138: {  	s1 =	ssub.s32 @!p0 $0x0, s1;
	[sflag:s0] =	ssyncset.done @!p0 $0x0  }
0x139: {  	[sflag:s0] =	ssyncadd.s32 @!p0 s1  }
0x13a: {  	[bflag:$0x3] =	sbarrier.arrive $0xFFFF  }
0x13b: {  	_ =	shalt  }

</sc_bundles>
